<compile_context>
chip_gen: v7x
topology: tpu7x:2x2x1
jax: 0.10.2.dev20260603
libtpu: 0.0.44.dev20260713+nightly
codegen_flags: <defaults>
</compile_context>

<pallas_src>
import jax
import jax.numpy as jnp
from jax.experimental import pallas as pl
from jax.experimental.pallas import tpu as pltpu
from jax.experimental.pallas import tpu_sc as plsc

S = 2048
D = 1024
E = 64
F = 512
T = 128
G = S // T + E
SCW = 32
IPAD = 128


def _sc_scatter_rows(x, idx_pad, n_rows):
    mesh = plsc.VectorSubcoreMesh(core_axis_name="c", subcore_axis_name="s")

    @pl.kernel(out_type=jax.ShapeDtypeStruct((n_rows, D), x.dtype),
               mesh=mesh, scratch_types=[])
    def k(x_hbm, i_hbm, o_hbm):
        def body(x_vmem, i_vmem):
            pltpu.sync_copy(x_vmem, o_hbm.at[i_vmem.at[0, pl.ds(0, SCW)]])

        pltpu.emit_pipeline(
            body,
            grid=(S // SCW,),
            in_specs=[pl.BlockSpec((SCW, D), index_map=lambda i: (i, 0)),
                      pl.BlockSpec((1, IPAD), index_map=lambda i: (i, 0))],
            out_specs=[],
            core_axis_name=("c", "s"),
            dimension_semantics=(pltpu.PARALLEL,),
        )(x_hbm, i_hbm)

    return k(x, idx_pad)


def _sc_gather_rows(data, idx_pad):
    mesh = plsc.VectorSubcoreMesh(core_axis_name="c", subcore_axis_name="s")

    @pl.kernel(out_type=jax.ShapeDtypeStruct((S, D), data.dtype),
               mesh=mesh, scratch_types=[])
    def k(d_hbm, i_hbm, o_hbm):
        def body(i_vmem, o_vmem):
            pltpu.sync_copy(d_hbm.at[i_vmem.at[0, pl.ds(0, SCW)]], o_vmem)

        pltpu.emit_pipeline(
            body,
            grid=(S // SCW,),
            in_specs=[pl.BlockSpec((1, IPAD), index_map=lambda i: (i, 0))],
            out_specs=[pl.BlockSpec((SCW, D), index_map=lambda i: (i, 0))],
            core_axis_name=("c", "s"),
            dimension_semantics=(pltpu.PARALLEL,),
        )(i_hbm, o_hbm)

    return k(data, idx_pad)


def _router_body(x_ref, gw_ref, dest_ref, te_ref):
    logits = jax.lax.dot_general(
        x_ref[...], gw_ref[...], (((1,), (1,)), ((), ())),
        preferred_element_type=jnp.float32)
    rw = jax.nn.softmax(logits, axis=-1)
    eid = jnp.argmax(rw, axis=-1, keepdims=True).astype(jnp.int32)

    cols = jax.lax.broadcasted_iota(jnp.int32, (S, E), 1)
    m = (cols == eid)
    m_f = m.astype(jnp.float32)

    r_io = jax.lax.broadcasted_iota(jnp.int32, (S, S), 0)
    c_io = jax.lax.broadcasted_iota(jnp.int32, (S, S), 1)
    tri = (c_io < r_io).astype(jnp.bfloat16)
    rankmat = jax.lax.dot_general(
        tri, m.astype(jnp.bfloat16), (((1,), (0,)), ((), ())),
        preferred_element_type=jnp.float32)
    rank_tok = jnp.sum(rankmat * m_f, axis=1, keepdims=True)

    counts = jnp.sum(m_f, axis=0, keepdims=True).astype(jnp.int32)
    num_tiles = (counts + (T - 1)) // T
    lt = (jax.lax.broadcasted_iota(jnp.int32, (E, E), 0)
          <= jax.lax.broadcasted_iota(jnp.int32, (E, E), 1)).astype(jnp.float32)
    tiles_cum = jax.lax.dot_general(
        num_tiles.astype(jnp.float32), lt, (((1,), (0,)), ((), ())),
        preferred_element_type=jnp.float32).astype(jnp.int32)
    tile_start = tiles_cum - num_tiles

    dest_base = jnp.sum(m_f * tile_start.astype(jnp.float32), axis=1,
                        keepdims=True)
    dest_ref[...] = (dest_base * T + rank_tok).astype(jnp.int32)

    total = tiles_cum[:, E - 1:E]
    ti = jax.lax.broadcasted_iota(jnp.int32, (G, E), 0)
    te = jnp.sum((jnp.broadcast_to(tiles_cum, (G, E)) <= ti).astype(jnp.int32),
                 axis=1, keepdims=True)
    lanes = jax.lax.broadcasted_iota(jnp.int32, (1, E), 1)
    last_e = jnp.max(jnp.where(counts > 0, lanes, 0), axis=1, keepdims=True)
    ti_col = jax.lax.broadcasted_iota(jnp.int32, (G, 1), 0)
    te_ref[...] = jnp.where(ti_col < total, te, last_e)


def _mlp_body(te_ref, x_ref, guw_ref, dw_ref, o_ref):
    x = x_ref[...].astype(jnp.bfloat16)
    gu = jax.lax.dot_general(
        x, guw_ref[0].astype(jnp.bfloat16), (((1,), (1,)), ((), ())),
        preferred_element_type=jnp.float32)
    g = gu[:, :F]
    u = gu[:, F:]
    h = g * jax.lax.logistic(g) * u
    o_ref[...] = jax.lax.dot_general(
        h.astype(jnp.bfloat16), dw_ref[0].astype(jnp.bfloat16),
        (((1,), (1,)), ((), ())),
        preferred_element_type=jnp.float32)


def kernel(hidden_states, gate_W, gate_up_W, down_W):
    B, S_, D_ = hidden_states.shape
    x = hidden_states.reshape(S, D)

    dest2d, te2d = pl.pallas_call(
        _router_body,
        out_shape=(jax.ShapeDtypeStruct((S, 1), jnp.int32),
                   jax.ShapeDtypeStruct((G, 1), jnp.int32)),
    )(x, gate_W)
    idx_pad = jnp.zeros((S // SCW, IPAD), jnp.int32).at[:, :SCW].set(
        dest2d.reshape(S // SCW, SCW))
    tile_expert = te2d[:, 0]

    xp = _sc_scatter_rows(x, idx_pad, G * T)

    grid_spec = pltpu.PrefetchScalarGridSpec(
        num_scalar_prefetch=1,
        grid=(G,),
        in_specs=[
            pl.BlockSpec((T, D), lambda i, te: (i, 0)),
            pl.BlockSpec((1, 2 * F, D), lambda i, te: (te[i], 0, 0)),
            pl.BlockSpec((1, D, F), lambda i, te: (te[i], 0, 0)),
        ],
        out_specs=pl.BlockSpec((T, D), lambda i, te: (i, 0)),
    )
    outp = pl.pallas_call(
        _mlp_body,
        grid_spec=grid_spec,
        out_shape=jax.ShapeDtypeStruct((G * T, D), jnp.float32),
    )(tile_expert, xp, gate_up_W, down_W)

    out = _sc_gather_rows(outp, idx_pad)
    return out.reshape(B, S_, D_)

# --- scband reference (transcript-rebuilt; emitter-appended) ---
"""Pipeline reference for scband-quantized-qwen3-moe-sparse-moe-block-39865886442067 (READ-ONLY COPY).

The authoritative reference and input builder live on the scoring server;
editing this copy changes nothing except your own understanding.
"""

import jax, jax.numpy as jnp
import numpy as np

NUM_EXPERTS = 64
TOP_K = 1
NORM_TOPK = True


def setup_inputs(seed: int = 0):
    key = jax.random.key(seed)
    ks = jax.random.split(key, 4)
    B, S, D, E, F = 1, 2048, 1024, 64, 512
    hidden_states = jax.random.normal(ks[0], (B, S, D), dtype=jnp.float32)
    gate_W = jax.random.normal(ks[1], (E, D), dtype=jnp.float32) * 0.02
    gate_up_W = jax.random.normal(ks[2], (E, 2 * F, D), dtype=jnp.float32) * 0.02
    down_W = jax.random.normal(ks[3], (E, D, F), dtype=jnp.float32) * 0.02
    return {"hidden_states": hidden_states, "gate_W": gate_W, "gate_up_W": gate_up_W, "down_W": down_W}


def reference(hidden_states, gate_W, gate_up_W, down_W):
    B, S, D = hidden_states.shape
    x = hidden_states.reshape(-1, D)
    router_logits = x @ gate_W.T
    rw = jax.nn.softmax(router_logits.astype(jnp.float32), axis=1)
    routing_weights, selected = jax.lax.top_k(rw, TOP_K)
    if NORM_TOPK:
        routing_weights = routing_weights / jnp.sum(routing_weights, axis=-1, keepdims=True)
    routing_weights = routing_weights.astype(x.dtype)
    final = jnp.zeros((x.shape[0], D), dtype=x.dtype)
    for e in range(NUM_EXPERTS):
        w = jnp.sum(jnp.where(selected == e, routing_weights, jnp.zeros_like(routing_weights)), axis=-1)
        gu = x @ gate_up_W[e].T
        g, u = jnp.split(gu, 2, axis=-1)
        h = jax.nn.silu(g) * u
        out = h @ down_W[e].T
        out = out * w[:, None]
        final = final + out
    return final.reshape(B, S, D)

if __name__ == "__main__":
    import jax
    _d = setup_inputs()
    print(jax.jit(kernel)(*tuple(_d.values())))

</pallas_src>

<mosaic_0001>
#map = affine_map<(d0, d1) -> (0, 0)>
module attributes {stable_mosaic.version = 14 : i64} {
  func.func @k(%arg0: i32, %arg1: i32, %arg2: memref<2048x1024xf32, #tpu.memory_space<hbm>>, %arg3: memref<64x128xi32, #tpu.memory_space<hbm>>, %arg4: memref<10240x1024xf32, #tpu.memory_space<hbm>>) attributes {dimension_semantics = [#tpu.dimension_semantics<core_parallel>, #tpu.dimension_semantics<subcore_parallel>], iteration_bounds = array<i64: 2, 16>, scalar_prefetch = 0 : i64, scratch_operands = 0 : i64, tpu.core_type = #tpu.core_type<sc_vector_subcore>, window_params = [{transform_indices = #map}, {transform_indices = #map}, {transform_indices = #map}]} {
    %mul3A = arith.constant 1 : i32
    %mul3A_0 = arith.muli %arg1, %mul3A : i32
    %add3A = arith.constant 0 : i32
    %add3A_1 = arith.addi %add3A, %mul3A_0 : i32
    %mul3A_2 = arith.constant 16 : i32
    %mul3A_3 = arith.muli %arg0, %mul3A_2 : i32
    %add3A_4 = arith.addi %add3A_1, %mul3A_3 : i32
    %mul3A_5 = arith.constant 2 : i32
    %mul3A_6 = arith.muli %add3A_4, %mul3A_5 : i32
    "tpu.region"() ({
      %run_scoped3A = memref.alloca() : memref<2x32x1024xf32, #tpu.memory_space<vmem>>
      %run_scoped3A_7 = tpu.sem_alloc : memref<2x!tpu.dma_semaphore, #tpu.memory_space<semaphore_mem>>
      %run_scoped3A_8 = memref.alloca() : memref<2x1x128xi32, #tpu.memory_space<vmem>>
      %run_scoped3A_9 = tpu.sem_alloc : memref<2x!tpu.dma_semaphore, #tpu.memory_space<semaphore_mem>>
      %add3A_10 = arith.constant 0 : i32
      %add3A_11 = arith.addi %add3A_10, %mul3A_6 : i32
      %select_n3A = arith.constant true
      %select_n3A_12 = arith.constant 0 : i32
      %select_n3A_13 = arith.constant -1 : i32
      %select_n3A_14 = arith.select %select_n3A, %select_n3A_13, %select_n3A_12 : i32
      %eq3A = arith.constant -1 : i32
      %eq3A_15 = arith.cmpi eq, %select_n3A_14, %eq3A : i32
      %select_n3A_16 = arith.constant 1 : i32
      %select_n3A_17 = arith.select %eq3A_15, %select_n3A_16, %select_n3A_14 : i32
      %add3A_18 = arith.addi %select_n3A_17, %mul3A_6 : i32
      %select_n3A_19 = arith.constant true
      %select_n3A_20 = arith.constant 0 : i32
      %select_n3A_21 = arith.constant 1 : i32
      %select_n3A_22 = arith.select %select_n3A_19, %select_n3A_21, %select_n3A_20 : i32
      %eq3A_23 = arith.constant 2 : i32
      %eq3A_24 = arith.cmpi eq, %select_n3A_22, %eq3A_23 : i32
      %select_n3A_25 = arith.constant 0 : i32
      %select_n3A_26 = arith.select %eq3A_24, %select_n3A_25, %select_n3A_22 : i32
      %add3A_27 = arith.addi %select_n3A_26, %mul3A_6 : i32
      %add3A_28 = arith.constant 1 : i32
      %add3A_29 = arith.addi %select_n3A_26, %add3A_28 : i32
      %select_n3A_30 = arith.constant true
      %select_n3A_31 = arith.select %select_n3A_30, %add3A_29, %select_n3A_26 : i32
      %eq3A_32 = arith.constant 2 : i32
      %eq3A_33 = arith.cmpi eq, %select_n3A_31, %eq3A_32 : i32
      %select_n3A_34 = arith.constant 0 : i32
      %select_n3A_35 = arith.select %eq3A_33, %select_n3A_34, %select_n3A_31 : i32
      %add3A_36 = arith.addi %select_n3A_35, %mul3A_6 : i32
      "tpu.trace_start"() <{level = 10 : i32, message = "ep_initialize_0"}> : () -> ()
      %rem3A = arith.constant 0 : i32
      %rem3A_37 = arith.constant 2 : i32
      %rem3A_38 = arith.remui %rem3A, %rem3A_37 : i32
      %mul3A_39 = arith.constant 32 : i32
      %mul3A_40 = arith.muli %mul3A_39, %add3A_11 : i32
      %dma_start3A = arith.constant 0 : i32
      %dma_start3A_41 = arith.constant 0 : i32
      %dma_start3A_42 = tpu.memref_slice %run_scoped3A[%rem3A_38, %dma_start3A, %dma_start3A_41] : memref<2x32x1024xf32, #tpu.memory_space<vmem>> -> memref<1x32x1024xf32, #tpu.memory_space<vmem>>
      %dma_start3A_43 = tpu.memref_squeeze %dma_start3A_42 : memref<1x32x1024xf32, #tpu.memory_space<vmem>> -> memref<32x1024xf32, #tpu.memory_space<vmem>>
      %dma_start3A_44 = arith.constant 0 : i32
      %dma_start3A_45 = tpu.memref_slice %arg2[%mul3A_40, %dma_start3A_44] : memref<2048x1024xf32, #tpu.memory_space<hbm>> -> memref<32x1024xf32, #tpu.memory_space<hbm>>
      %dma_start3A_46 = tpu.memref_slice %run_scoped3A_7[%rem3A_38] : memref<2x!tpu.dma_semaphore, #tpu.memory_space<semaphore_mem>> -> memref<1x!tpu.dma_semaphore, #tpu.memory_space<semaphore_mem>>
      %dma_start3A_47 = tpu.memref_squeeze %dma_start3A_46 : memref<1x!tpu.dma_semaphore, #tpu.memory_space<semaphore_mem>> -> memref<!tpu.dma_semaphore, #tpu.memory_space<semaphore_mem>>
      %dma_start3A_48 = arith.constant 0 : i32
      %dma_start3A_49 = arith.constant 0 : i32
      %dma_start3A_50 = tpu.memref_slice %run_scoped3A[%rem3A_38, %dma_start3A_48, %dma_start3A_49] : memref<2x32x1024xf32, #tpu.memory_space<vmem>> -> memref<1x32x1024xf32, #tpu.memory_space<vmem>>
      %dma_start3A_51 = tpu.memref_squeeze %dma_start3A_50 : memref<1x32x1024xf32, #tpu.memory_space<vmem>> -> memref<32x1024xf32, #tpu.memory_space<vmem>>
      %dma_start3A_52 = arith.constant 0 : i32
      %dma_start3A_53 = tpu.memref_slice %arg2[%mul3A_40, %dma_start3A_52] : memref<2048x1024xf32, #tpu.memory_space<hbm>> -> memref<32x1024xf32, #tpu.memory_space<hbm>>
      tpu.enqueue_dma source(%dma_start3A_53 : memref<32x1024xf32, #tpu.memory_space<hbm>>) target(%dma_start3A_51 : memref<32x1024xf32, #tpu.memory_space<vmem>>) target_semaphore(%dma_start3A_47 : memref<!tpu.dma_semaphore, #tpu.memory_space<semaphore_mem>>)
      %add3A_54 = arith.constant 0 : i32
      %add3A_55 = arith.constant 1 : i32
      %add3A_56 = arith.addi %add3A_54, %add3A_55 : i32
      %select_n3A_57 = arith.constant true
      %select_n3A_58 = arith.constant 0 : i32
      %select_n3A_59 = arith.select %select_n3A_57, %add3A_56, %select_n3A_58 : i32
      %rem3A_60 = arith.constant 0 : i32
      %rem3A_61 = arith.constant 2 : i32
      %rem3A_62 = arith.remui %rem3A_60, %rem3A_61 : i32
      %mul3A_63 = arith.constant 1 : i32
      %mul3A_64 = arith.muli %mul3A_63, %add3A_11 : i32
      %dma_start3A_65 = arith.constant 0 : i32
      %dma_start3A_66 = arith.constant 0 : i32
      %dma_start3A_67 = tpu.memref_slice %run_scoped3A_8[%rem3A_62, %dma_start3A_65, %dma_start3A_66] : memref<2x1x128xi32, #tpu.memory_space<vmem>> -> memref<1x1x128xi32, #tpu.memory_space<vmem>>
      %dma_start3A_68 = tpu.memref_squeeze %dma_start3A_67 : memref<1x1x128xi32, #tpu.memory_space<vmem>> -> memref<1x128xi32, #tpu.memory_space<vmem>>
      %dma_start3A_69 = arith.constant 0 : i32
      %dma_start3A_70 = tpu.memref_slice %arg3[%mul3A_64, %dma_start3A_69] : memref<64x128xi32, #tpu.memory_space<hbm>> -> memref<1x128xi32, #tpu.memory_space<hbm>>
      %dma_start3A_71 = tpu.memref_slice %run_scoped3A_9[%rem3A_62] : memref<2x!tpu.dma_semaphore, #tpu.memory_space<semaphore_mem>> -> memref<1x!tpu.dma_semaphore, #tpu.memory_space<semaphore_mem>>
      %dma_start3A_72 = tpu.memref_squeeze %dma_start3A_71 : memref<1x!tpu.dma_semaphore, #tpu.memory_space<semaphore_mem>> -> memref<!tpu.dma_semaphore, #tpu.memory_space<semaphore_mem>>
      %dma_start3A_73 = arith.constant 0 : i32
      %dma_start3A_74 = arith.constant 0 : i32
      %dma_start3A_75 = tpu.memref_slice %run_scoped3A_8[%rem3A_62, %dma_start3A_73, %dma_start3A_74] : memref<2x1x128xi32, #tpu.memory_space<vmem>> -> memref<1x1x128xi32, #tpu.memory_space<vmem>>
      %dma_start3A_76 = tpu.memref_squeeze %dma_start3A_75 : memref<1x1x128xi32, #tpu.memory_space<vmem>> -> memref<1x128xi32, #tpu.memory_space<vmem>>
      %dma_start3A_77 = arith.constant 0 : i32
      %dma_start3A_78 = tpu.memref_slice %arg3[%mul3A_64, %dma_start3A_77] : memref<64x128xi32, #tpu.memory_space<hbm>> -> memref<1x128xi32, #tpu.memory_space<hbm>>
      tpu.enqueue_dma source(%dma_start3A_78 : memref<1x128xi32, #tpu.memory_space<hbm>>) target(%dma_start3A_76 : memref<1x128xi32, #tpu.memory_space<vmem>>) target_semaphore(%dma_start3A_72 : memref<!tpu.dma_semaphore, #tpu.memory_space<semaphore_mem>>)
      %add3A_79 = arith.constant 0 : i32
      %add3A_80 = arith.constant 1 : i32
      %add3A_81 = arith.addi %add3A_79, %add3A_80 : i32
      %select_n3A_82 = arith.constant true
      %select_n3A_83 = arith.constant 0 : i32
      %select_n3A_84 = arith.select %select_n3A_82, %add3A_81, %select_n3A_83 : i32
      "tpu.trace_stop"() : () -> ()
      %scan3A = arith.constant 0 : i32
      %scan3A_85 = arith.constant 0 : i32
      %scan3A_86 = arith.constant 0 : i32
      %scan3A_87 = arith.constant 0 : i32
      %scan3A_88 = arith.constant 2 : i32
      %scan3A_89 = arith.addi %scan3A_87, %scan3A_88 : i32
      %scan3A_90 = arith.constant 1 : i32
      %scan3A_91:5 = scf.for %scan3A_128 = %scan3A_87 to %scan3A_89 step %scan3A_90 iter_args(%scan3A_129 = %select_n3A_59, %scan3A_130 = %scan3A, %scan3A_131 = %select_n3A_84, %scan3A_132 = %scan3A_85, %scan3A_133 = %scan3A_86) -> (i32, i32, i32, i32, i32)  : i32 {
        %eq3A_134 = arith.constant 0 : i32
        %eq3A_135 = arith.cmpi eq, %scan3A_128, %eq3A_134 : i32
        %eq3A_136 = arith.constant 1 : i32
        %eq3A_137 = arith.cmpi eq, %scan3A_128, %eq3A_136 : i32
        %add3A_138 = arith.addi %scan3A_133, %mul3A_6 : i32
        %sub3A_139 = arith.constant 1 : i32
        %sub3A_140 = arith.subi %scan3A_133, %sub3A_139 : i32
        %select_n3A_141 = arith.constant true
        %select_n3A_142 = arith.select %select_n3A_141, %sub3A_140, %scan3A_133 : i32
        %eq3A_143 = arith.constant -1 : i32
        %eq3A_144 = arith.cmpi eq, %select_n3A_142, %eq3A_143 : i32
        %select_n3A_145 = arith.constant 1 : i32
        %select_n3A_146 = arith.select %eq3A_144, %select_n3A_145, %select_n3A_142 : i32
        %add3A_147 = arith.addi %select_n3A_146, %mul3A_6 : i32
        %add3A_148 = arith.constant 1 : i32
        %add3A_149 = arith.addi %scan3A_133, %add3A_148 : i32
        %select_n3A_150 = arith.constant true
        %select_n3A_151 = arith.select %select_n3A_150, %add3A_149, %scan3A_133 : i32
        %eq3A_152 = arith.constant 2 : i32
        %eq3A_153 = arith.cmpi eq, %select_n3A_151, %eq3A_152 : i32
        %select_n3A_154 = arith.constant 0 : i32
        %select_n3A_155 = arith.select %eq3A_153, %select_n3A_154, %select_n3A_151 : i32
        %add3A_156 = arith.addi %select_n3A_155, %mul3A_6 : i32
        %add3A_157 = arith.constant 1 : i32
        %add3A_158 = arith.addi %select_n3A_155, %add3A_157 : i32
        %select_n3A_159 = arith.constant true
        %select_n3A_160 = arith.select %select_n3A_159, %add3A_158, %select_n3A_155 : i32
        %eq3A_161 = arith.constant 2 : i32
        %eq3A_162 = arith.cmpi eq, %select_n3A_160, %eq3A_161 : i32
        %select_n3A_163 = arith.constant 0 : i32
        %select_n3A_164 = arith.select %eq3A_162, %select_n3A_163, %select_n3A_160 : i32
        %add3A_165 = arith.addi %select_n3A_164, %mul3A_6 : i32
        %ne3A = arith.cmpi ne, %add3A_138, %add3A_156 : i32
        %or3A = arith.constant false
        %or3A_166 = arith.ori %or3A, %ne3A : i1
        %or3A_167 = arith.constant false
        %or3A_168 = arith.ori %or3A_166, %or3A_167 : i1
        %ge3A = arith.constant 1 : i32
        %ge3A_169 = arith.cmpi sge, %scan3A_128, %ge3A : i32
        %not3A = arith.constant true
        %not3A_170 = arith.xori %ge3A_169, %not3A : i1
        %and3A = arith.andi %or3A_168, %not3A_170 : i1
        %convert_element_type3A = arith.extui %and3A : i1 to i32
        %cond3A = arith.constant 0 : i32
        %cond3A_171 = arith.cmpi ne, %convert_element_type3A, %cond3A : i32
        scf.if %cond3A_171 {
          "tpu.trace_start"() <{level = 10 : i32, message = "ep_copy_in"}> : () -> ()
          %rem3A_292 = arith.constant 2 : i32
          %rem3A_293 = arith.remui %scan3A_129, %rem3A_292 : i32
          %mul3A_294 = arith.constant 32 : i32
          %mul3A_295 = arith.muli %mul3A_294, %add3A_156 : i32
          %dma_start3A_296 = arith.constant 0 : i32
          %dma_start3A_297 = arith.constant 0 : i32
          %dma_start3A_298 = tpu.memref_slice %run_scoped3A[%rem3A_293, %dma_start3A_296, %dma_start3A_297] : memref<2x32x1024xf32, #tpu.memory_space<vmem>> -> memref<1x32x1024xf32, #tpu.memory_space<vmem>>
          %dma_start3A_299 = tpu.memref_squeeze %dma_start3A_298 : memref<1x32x1024xf32, #tpu.memory_space<vmem>> -> memref<32x1024xf32, #tpu.memory_space<vmem>>
          %dma_start3A_300 = arith.constant 0 : i32
          %dma_start3A_301 = tpu.memref_slice %arg2[%mul3A_295, %dma_start3A_300] : memref<2048x1024xf32, #tpu.memory_space<hbm>> -> memref<32x1024xf32, #tpu.memory_space<hbm>>
          %dma_start3A_302 = tpu.memref_slice %run_scoped3A_7[%rem3A_293] : memref<2x!tpu.dma_semaphore, #tpu.memory_space<semaphore_mem>> -> memref<1x!tpu.dma_semaphore, #tpu.memory_space<semaphore_mem>>
          %dma_start3A_303 = tpu.memref_squeeze %dma_start3A_302 : memref<1x!tpu.dma_semaphore, #tpu.memory_space<semaphore_mem>> -> memref<!tpu.dma_semaphore, #tpu.memory_space<semaphore_mem>>
          %dma_start3A_304 = arith.constant 0 : i32
          %dma_start3A_305 = arith.constant 0 : i32
          %dma_start3A_306 = tpu.memref_slice %run_scoped3A[%rem3A_293, %dma_start3A_304, %dma_start3A_305] : memref<2x32x1024xf32, #tpu.memory_space<vmem>> -> memref<1x32x1024xf32, #tpu.memory_space<vmem>>
          %dma_start3A_307 = tpu.memref_squeeze %dma_start3A_306 : memref<1x32x1024xf32, #tpu.memory_space<vmem>> -> memref<32x1024xf32, #tpu.memory_space<vmem>>
          %dma_start3A_308 = arith.constant 0 : i32
          %dma_start3A_309 = tpu.memref_slice %arg2[%mul3A_295, %dma_start3A_308] : memref<2048x1024xf32, #tpu.memory_space<hbm>> -> memref<32x1024xf32, #tpu.memory_space<hbm>>
          tpu.enqueue_dma source(%dma_start3A_309 : memref<32x1024xf32, #tpu.memory_space<hbm>>) target(%dma_start3A_307 : memref<32x1024xf32, #tpu.memory_space<vmem>>) target_semaphore(%dma_start3A_303 : memref<!tpu.dma_semaphore, #tpu.memory_space<semaphore_mem>>)
          "tpu.trace_stop"() : () -> ()
        } else {
        }
        %and3A_172 = arith.constant true
        %and3A_173 = arith.andi %and3A, %and3A_172 : i1
        %add3A_174 = arith.constant 1 : i32
        %add3A_175 = arith.addi %scan3A_129, %add3A_174 : i32
        %select_n3A_176 = arith.select %and3A_173, %add3A_175, %scan3A_129 : i32
        %ne3A_177 = arith.cmpi ne, %add3A_138, %add3A_156 : i32
        %or3A_178 = arith.constant false
        %or3A_179 = arith.ori %or3A_178, %ne3A_177 : i1
        %or3A_180 = arith.constant false
        %or3A_181 = arith.ori %or3A_179, %or3A_180 : i1
        %ge3A_182 = arith.constant 1 : i32
        %ge3A_183 = arith.cmpi sge, %scan3A_128, %ge3A_182 : i32
        %not3A_184 = arith.constant true
        %not3A_185 = arith.xori %ge3A_183, %not3A_184 : i1
        %and3A_186 = arith.andi %or3A_181, %not3A_185 : i1
        %convert_element_type3A_187 = arith.extui %and3A_186 : i1 to i32
        %cond3A_188 = arith.constant 0 : i32
        %cond3A_189 = arith.cmpi ne, %convert_element_type3A_187, %cond3A_188 : i32
        scf.if %cond3A_189 {
          "tpu.trace_start"() <{level = 10 : i32, message = "ep_copy_in"}> : () -> ()
          %rem3A_292 = arith.constant 2 : i32
          %rem3A_293 = arith.remui %scan3A_131, %rem3A_292 : i32
          %mul3A_294 = arith.constant 1 : i32
          %mul3A_295 = arith.muli %mul3A_294, %add3A_156 : i32
          %dma_start3A_296 = arith.constant 0 : i32
          %dma_start3A_297 = arith.constant 0 : i32
          %dma_start3A_298 = tpu.memref_slice %run_scoped3A_8[%rem3A_293, %dma_start3A_296, %dma_start3A_297] : memref<2x1x128xi32, #tpu.memory_space<vmem>> -> memref<1x1x128xi32, #tpu.memory_space<vmem>>
          %dma_start3A_299 = tpu.memref_squeeze %dma_start3A_298 : memref<1x1x128xi32, #tpu.memory_space<vmem>> -> memref<1x128xi32, #tpu.memory_space<vmem>>
          %dma_start3A_300 = arith.constant 0 : i32
          %dma_start3A_301 = tpu.memref_slice %arg3[%mul3A_295, %dma_start3A_300] : memref<64x128xi32, #tpu.memory_space<hbm>> -> memref<1x128xi32, #tpu.memory_space<hbm>>
          %dma_start3A_302 = tpu.memref_slice %run_scoped3A_9[%rem3A_293] : memref<2x!tpu.dma_semaphore, #tpu.memory_space<semaphore_mem>> -> memref<1x!tpu.dma_semaphore, #tpu.memory_space<semaphore_mem>>
          %dma_start3A_303 = tpu.memref_squeeze %dma_start3A_302 : memref<1x!tpu.dma_semaphore, #tpu.memory_space<semaphore_mem>> -> memref<!tpu.dma_semaphore, #tpu.memory_space<semaphore_mem>>
          %dma_start3A_304 = arith.constant 0 : i32
          %dma_start3A_305 = arith.constant 0 : i32
          %dma_start3A_306 = tpu.memref_slice %run_scoped3A_8[%rem3A_293, %dma_start3A_304, %dma_start3A_305] : memref<2x1x128xi32, #tpu.memory_space<vmem>> -> memref<1x1x128xi32, #tpu.memory_space<vmem>>
          %dma_start3A_307 = tpu.memref_squeeze %dma_start3A_306 : memref<1x1x128xi32, #tpu.memory_space<vmem>> -> memref<1x128xi32, #tpu.memory_space<vmem>>
          %dma_start3A_308 = arith.constant 0 : i32
          %dma_start3A_309 = tpu.memref_slice %arg3[%mul3A_295, %dma_start3A_308] : memref<64x128xi32, #tpu.memory_space<hbm>> -> memref<1x128xi32, #tpu.memory_space<hbm>>
          tpu.enqueue_dma source(%dma_start3A_309 : memref<1x128xi32, #tpu.memory_space<hbm>>) target(%dma_start3A_307 : memref<1x128xi32, #tpu.memory_space<vmem>>) target_semaphore(%dma_start3A_303 : memref<!tpu.dma_semaphore, #tpu.memory_space<semaphore_mem>>)
          "tpu.trace_stop"() : () -> ()
        } else {
        }
        %and3A_190 = arith.constant true
        %and3A_191 = arith.andi %and3A_186, %and3A_190 : i1
        %add3A_192 = arith.constant 1 : i32
        %add3A_193 = arith.addi %scan3A_131, %add3A_192 : i32
        %select_n3A_194 = arith.select %and3A_191, %add3A_193, %scan3A_131 : i32
        %ne3A_195 = arith.cmpi ne, %add3A_138, %add3A_147 : i32
        %or3A_196 = arith.constant false
        %or3A_197 = arith.ori %or3A_196, %ne3A_195 : i1
        %or3A_198 = arith.constant false
        %or3A_199 = arith.ori %or3A_197, %or3A_198 : i1
        %or3A_200 = arith.ori %or3A_199, %eq3A_135 : i1
        %convert_element_type3A_201 = arith.extui %or3A_200 : i1 to i32
        %cond3A_202 = arith.constant 0 : i32
        %cond3A_203 = arith.cmpi ne, %convert_element_type3A_201, %cond3A_202 : i32
        scf.if %cond3A_203 {
          "tpu.trace_start"() <{level = 10 : i32, message = "ep_wait_in"}> : () -> ()
          %mul3A_292 = arith.constant 32 : i32
          %mul3A_293 = arith.muli %mul3A_292, %add3A_138 : i32
          %rem3A_294 = arith.constant 2 : i32
          %rem3A_295 = arith.remui %scan3A_130, %rem3A_294 : i32
          %dma_wait3A = arith.constant 0 : i32
          %dma_wait3A_296 = arith.constant 0 : i32
          %dma_wait3A_297 = tpu.memref_slice %run_scoped3A[%rem3A_295, %dma_wait3A, %dma_wait3A_296] : memref<2x32x1024xf32, #tpu.memory_space<vmem>> -> memref<1x32x1024xf32, #tpu.memory_space<vmem>>
          %dma_wait3A_298 = tpu.memref_squeeze %dma_wait3A_297 : memref<1x32x1024xf32, #tpu.memory_space<vmem>> -> memref<32x1024xf32, #tpu.memory_space<vmem>>
          %dma_wait3A_299 = arith.constant 0 : i32
          %dma_wait3A_300 = tpu.memref_slice %arg2[%mul3A_293, %dma_wait3A_299] : memref<2048x1024xf32, #tpu.memory_space<hbm>> -> memref<32x1024xf32, #tpu.memory_space<hbm>>
          %dma_wait3A_301 = tpu.memref_slice %run_scoped3A_7[%rem3A_295] : memref<2x!tpu.dma_semaphore, #tpu.memory_space<semaphore_mem>> -> memref<1x!tpu.dma_semaphore, #tpu.memory_space<semaphore_mem>>
          %dma_wait3A_302 = tpu.memref_squeeze %dma_wait3A_301 : memref<1x!tpu.dma_semaphore, #tpu.memory_space<semaphore_mem>> -> memref<!tpu.dma_semaphore, #tpu.memory_space<semaphore_mem>>
          %dma_wait3A_303 = arith.constant 0 : i32
          %dma_wait3A_304 = arith.constant 0 : i32
          %dma_wait3A_305 = tpu.memref_slice %run_scoped3A[%rem3A_295, %dma_wait3A_303, %dma_wait3A_304] : memref<2x32x1024xf32, #tpu.memory_space<vmem>> -> memref<1x32x1024xf32, #tpu.memory_space<vmem>>
          %dma_wait3A_306 = tpu.memref_squeeze %dma_wait3A_305 : memref<1x32x1024xf32, #tpu.memory_space<vmem>> -> memref<32x1024xf32, #tpu.memory_space<vmem>>
          %dma_wait3A_307 = arith.constant 0 : i32
          %dma_wait3A_308 = tpu.memref_slice %arg2[%mul3A_293, %dma_wait3A_307] : memref<2048x1024xf32, #tpu.memory_space<hbm>> -> memref<32x1024xf32, #tpu.memory_space<hbm>>
          tpu.wait_dma2 semaphore(%dma_wait3A_302 : memref<!tpu.dma_semaphore, #tpu.memory_space<semaphore_mem>>) src(%dma_wait3A_308 : memref<32x1024xf32, #tpu.memory_space<hbm>>) dst(%dma_wait3A_306 : memref<32x1024xf32, #tpu.memory_space<vmem>>)
          "tpu.trace_stop"() : () -> ()
        } else {
        }
        %ne3A_204 = arith.cmpi ne, %add3A_138, %add3A_147 : i32
        %or3A_205 = arith.constant false
        %or3A_206 = arith.ori %or3A_205, %ne3A_204 : i1
        %or3A_207 = arith.constant false
        %or3A_208 = arith.ori %or3A_206, %or3A_207 : i1
        %or3A_209 = arith.ori %or3A_208, %eq3A_135 : i1
        %convert_element_type3A_210 = arith.extui %or3A_209 : i1 to i32
        %cond3A_211 = arith.constant 0 : i32
        %cond3A_212 = arith.cmpi ne, %convert_element_type3A_210, %cond3A_211 : i32
        scf.if %cond3A_212 {
          "tpu.trace_start"() <{level = 10 : i32, message = "ep_wait_in"}> : () -> ()
          %mul3A_292 = arith.constant 1 : i32
          %mul3A_293 = arith.muli %mul3A_292, %add3A_138 : i32
          %rem3A_294 = arith.constant 2 : i32
          %rem3A_295 = arith.remui %scan3A_132, %rem3A_294 : i32
          %dma_wait3A = arith.constant 0 : i32
          %dma_wait3A_296 = arith.constant 0 : i32
          %dma_wait3A_297 = tpu.memref_slice %run_scoped3A_8[%rem3A_295, %dma_wait3A, %dma_wait3A_296] : memref<2x1x128xi32, #tpu.memory_space<vmem>> -> memref<1x1x128xi32, #tpu.memory_space<vmem>>
          %dma_wait3A_298 = tpu.memref_squeeze %dma_wait3A_297 : memref<1x1x128xi32, #tpu.memory_space<vmem>> -> memref<1x128xi32, #tpu.memory_space<vmem>>
          %dma_wait3A_299 = arith.constant 0 : i32
          %dma_wait3A_300 = tpu.memref_slice %arg3[%mul3A_293, %dma_wait3A_299] : memref<64x128xi32, #tpu.memory_space<hbm>> -> memref<1x128xi32, #tpu.memory_space<hbm>>
          %dma_wait3A_301 = tpu.memref_slice %run_scoped3A_9[%rem3A_295] : memref<2x!tpu.dma_semaphore, #tpu.memory_space<semaphore_mem>> -> memref<1x!tpu.dma_semaphore, #tpu.memory_space<semaphore_mem>>
          %dma_wait3A_302 = tpu.memref_squeeze %dma_wait3A_301 : memref<1x!tpu.dma_semaphore, #tpu.memory_space<semaphore_mem>> -> memref<!tpu.dma_semaphore, #tpu.memory_space<semaphore_mem>>
          %dma_wait3A_303 = arith.constant 0 : i32
          %dma_wait3A_304 = arith.constant 0 : i32
          %dma_wait3A_305 = tpu.memref_slice %run_scoped3A_8[%rem3A_295, %dma_wait3A_303, %dma_wait3A_304] : memref<2x1x128xi32, #tpu.memory_space<vmem>> -> memref<1x1x128xi32, #tpu.memory_space<vmem>>
          %dma_wait3A_306 = tpu.memref_squeeze %dma_wait3A_305 : memref<1x1x128xi32, #tpu.memory_space<vmem>> -> memref<1x128xi32, #tpu.memory_space<vmem>>
          %dma_wait3A_307 = arith.constant 0 : i32
          %dma_wait3A_308 = tpu.memref_slice %arg3[%mul3A_293, %dma_wait3A_307] : memref<64x128xi32, #tpu.memory_space<hbm>> -> memref<1x128xi32, #tpu.memory_space<hbm>>
          tpu.wait_dma2 semaphore(%dma_wait3A_302 : memref<!tpu.dma_semaphore, #tpu.memory_space<semaphore_mem>>) src(%dma_wait3A_308 : memref<1x128xi32, #tpu.memory_space<hbm>>) dst(%dma_wait3A_306 : memref<1x128xi32, #tpu.memory_space<vmem>>)
          "tpu.trace_stop"() : () -> ()
        } else {
        }
        %rem3A_213 = arith.constant 2 : i32
        %rem3A_214 = arith.remui %scan3A_130, %rem3A_213 : i32
        %rem3A_215 = arith.constant 2 : i32
        %rem3A_216 = arith.remui %scan3A_132, %rem3A_215 : i32
        %run_scoped3A_217 = arith.constant 0 : i32
        "tpu.trace_start"() <{level = 10 : i32, message = "ep_run_kernel"}> : () -> ()
        "tpu.region"() ({
          %run_scoped3A_292 = tpu.sem_alloc : memref<!tpu.dma_semaphore, #tpu.memory_space<semaphore_mem>>
          %dma_start3A_293 = arith.constant 0 : i32
          %dma_start3A_294 = arith.constant 0 : i32
          %dma_start3A_295 = tpu.memref_slice %run_scoped3A[%rem3A_214, %dma_start3A_293, %dma_start3A_294] : memref<2x32x1024xf32, #tpu.memory_space<vmem>> -> memref<1x32x1024xf32, #tpu.memory_space<vmem>>
          %dma_start3A_296 = tpu.memref_squeeze %dma_start3A_295 : memref<1x32x1024xf32, #tpu.memory_space<vmem>> -> memref<32x1024xf32, #tpu.memory_space<vmem>>
          %dma_start3A_297 = arith.constant 0 : i32
          %dma_start3A_298 = arith.constant 0 : i32
          %dma_start3A_299 = tpu.memref_slice %run_scoped3A_8[%rem3A_216, %dma_start3A_297, %dma_start3A_298] : memref<2x1x128xi32, #tpu.memory_space<vmem>> -> memref<1x1x128xi32, #tpu.memory_space<vmem>>
          %dma_start3A_300 = tpu.memref_squeeze %dma_start3A_299 : memref<1x1x128xi32, #tpu.memory_space<vmem>> -> memref<1x128xi32, #tpu.memory_space<vmem>>
          %dma_start3A_301 = arith.constant 0 : i32
          %dma_start3A_302 = tpu.memref_slice %dma_start3A_300[%run_scoped3A_217, %dma_start3A_301] : memref<1x128xi32, #tpu.memory_space<vmem>> -> memref<1x32xi32, #tpu.memory_space<vmem>>
          %dma_start3A_303 = tpu.memref_squeeze %dma_start3A_302 : memref<1x32xi32, #tpu.memory_space<vmem>> -> memref<32xi32, #tpu.memory_space<vmem>>
          %dma_start3A_304 = arith.constant 0 : i32
          %dma_start3A_305 = arith.constant 0 : i32
          %dma_start3A_306 = tpu.memref_slice %arg4[%dma_start3A_304, %dma_start3A_305] : memref<10240x1024xf32, #tpu.memory_space<hbm>> -> memref<10240x1024xf32, #tpu.memory_space<hbm>>
          tpu.enqueue_indirect_dma source(%dma_start3A_296 : memref<32x1024xf32, #tpu.memory_space<vmem>>) target(%dma_start3A_306 : memref<10240x1024xf32, #tpu.memory_space<hbm>>) offsets(%dma_start3A_303 : memref<32xi32, #tpu.memory_space<vmem>>) semaphore(%run_scoped3A_292 : memref<!tpu.dma_semaphore, #tpu.memory_space<semaphore_mem>>)
          %dma_wait3A = arith.constant 0 : i32
          %dma_wait3A_307 = arith.constant 0 : i32
          %dma_wait3A_308 = tpu.memref_slice %run_scoped3A[%rem3A_214, %dma_wait3A, %dma_wait3A_307] : memref<2x32x1024xf32, #tpu.memory_space<vmem>> -> memref<1x32x1024xf32, #tpu.memory_space<vmem>>
          %dma_wait3A_309 = tpu.memref_squeeze %dma_wait3A_308 : memref<1x32x1024xf32, #tpu.memory_space<vmem>> -> memref<32x1024xf32, #tpu.memory_space<vmem>>
          %dma_wait3A_310 = arith.constant 0 : i32
          %dma_wait3A_311 = arith.constant 0 : i32
          %dma_wait3A_312 = tpu.memref_slice %run_scoped3A_8[%rem3A_216, %dma_wait3A_310, %dma_wait3A_311] : memref<2x1x128xi32, #tpu.memory_space<vmem>> -> memref<1x1x128xi32, #tpu.memory_space<vmem>>
          %dma_wait3A_313 = tpu.memref_squeeze %dma_wait3A_312 : memref<1x1x128xi32, #tpu.memory_space<vmem>> -> memref<1x128xi32, #tpu.memory_space<vmem>>
          %dma_wait3A_314 = arith.constant 0 : i32
          %dma_wait3A_315 = tpu.memref_slice %dma_wait3A_313[%run_scoped3A_217, %dma_wait3A_314] : memref<1x128xi32, #tpu.memory_space<vmem>> -> memref<1x32xi32, #tpu.memory_space<vmem>>
          %dma_wait3A_316 = tpu.memref_squeeze %dma_wait3A_315 : memref<1x32xi32, #tpu.memory_space<vmem>> -> memref<32xi32, #tpu.memory_space<vmem>>
          %dma_wait3A_317 = arith.constant 0 : i32
          %dma_wait3A_318 = arith.constant 0 : i32
          %dma_wait3A_319 = tpu.memref_slice %arg4[%dma_wait3A_317, %dma_wait3A_318] : memref<10240x1024xf32, #tpu.memory_space<hbm>> -> memref<10240x1024xf32, #tpu.memory_space<hbm>>
          tpu.wait_indirect_dma semaphore(%run_scoped3A_292 : memref<!tpu.dma_semaphore, #tpu.memory_space<semaphore_mem>>) src(%dma_wait3A_309 : memref<32x1024xf32, #tpu.memory_space<vmem>>) dst(%dma_wait3A_319 : memref<10240x1024xf32, #tpu.memory_space<hbm>>)
          tpu.yield
        }) : () -> ()
        "tpu.trace_stop"() : () -> ()
        %ne3A_218 = arith.cmpi ne, %add3A_138, %add3A_156 : i32
        %or3A_219 = arith.constant false
        %or3A_220 = arith.ori %or3A_219, %ne3A_218 : i1
        %or3A_221 = arith.constant false
        %or3A_222 = arith.ori %or3A_220, %or3A_221 : i1
        %or3A_223 = arith.ori %or3A_222, %eq3A_137 : i1
        %convert_element_type3A_224 = arith.extui %or3A_223 : i1 to i32
        %cond3A_225 = arith.constant 0 : i32
        %cond3A_226 = arith.cmpi ne, %convert_element_type3A_224, %cond3A_225 : i32
        scf.if %cond3A_226 {
        } else {
        }
        %and3A_227 = arith.constant false
        %and3A_228 = arith.andi %or3A_223, %and3A_227 : i1
        %ne3A_229 = arith.cmpi ne, %add3A_138, %add3A_156 : i32
        %or3A_230 = arith.constant false
        %or3A_231 = arith.ori %or3A_230, %ne3A_229 : i1
        %or3A_232 = arith.constant false
        %or3A_233 = arith.ori %or3A_231, %or3A_232 : i1
        %or3A_234 = arith.ori %or3A_233, %eq3A_137 : i1
        %convert_element_type3A_235 = arith.extui %or3A_234 : i1 to i32
        %cond3A_236 = arith.constant 0 : i32
        %cond3A_237 = arith.cmpi ne, %convert_element_type3A_235, %cond3A_236 : i32
        scf.if %cond3A_237 {
        } else {
        }
        %and3A_238 = arith.constant false
        %and3A_239 = arith.andi %or3A_234, %and3A_238 : i1
        %ne3A_240 = arith.cmpi ne, %add3A_138, %add3A_147 : i32
        %or3A_241 = arith.constant false
        %or3A_242 = arith.ori %or3A_241, %ne3A_240 : i1
        %or3A_243 = arith.constant false
        %or3A_244 = arith.ori %or3A_242, %or3A_243 : i1
        %not3A_245 = arith.constant true
        %not3A_246 = arith.xori %eq3A_135, %not3A_245 : i1
        %and3A_247 = arith.andi %or3A_244, %not3A_246 : i1
        %convert_element_type3A_248 = arith.extui %and3A_247 : i1 to i32
        %cond3A_249 = arith.constant 0 : i32
        %cond3A_250 = arith.cmpi ne, %convert_element_type3A_248, %cond3A_249 : i32
        scf.if %cond3A_250 {
        } else {
        }
        %and3A_251 = arith.constant false
        %and3A_252 = arith.andi %and3A_247, %and3A_251 : i1
        %ne3A_253 = arith.cmpi ne, %add3A_138, %add3A_147 : i32
        %or3A_254 = arith.constant false
        %or3A_255 = arith.ori %or3A_254, %ne3A_253 : i1
        %or3A_256 = arith.constant false
        %or3A_257 = arith.ori %or3A_255, %or3A_256 : i1
        %not3A_258 = arith.constant true
        %not3A_259 = arith.xori %eq3A_135, %not3A_258 : i1
        %and3A_260 = arith.andi %or3A_257, %not3A_259 : i1
        %convert_element_type3A_261 = arith.extui %and3A_260 : i1 to i32
        %cond3A_262 = arith.constant 0 : i32
        %cond3A_263 = arith.cmpi ne, %convert_element_type3A_261, %cond3A_262 : i32
        scf.if %cond3A_263 {
        } else {
        }
        %and3A_264 = arith.constant false
        %and3A_265 = arith.andi %and3A_260, %and3A_264 : i1
        %ne3A_266 = arith.cmpi ne, %add3A_138, %add3A_156 : i32
        %or3A_267 = arith.constant false
        %or3A_268 = arith.ori %or3A_267, %ne3A_266 : i1
        %or3A_269 = arith.constant false
        %or3A_270 = arith.ori %or3A_268, %or3A_269 : i1
        %or3A_271 = arith.ori %or3A_270, %eq3A_137 : i1
        %add3A_272 = arith.constant 1 : i32
        %add3A_273 = arith.addi %scan3A_130, %add3A_272 : i32
        %select_n3A_274 = arith.select %or3A_271, %add3A_273, %scan3A_130 : i32
        %ne3A_275 = arith.cmpi ne, %add3A_138, %add3A_156 : i32
        %or3A_276 = arith.constant false
        %or3A_277 = arith.ori %or3A_276, %ne3A_275 : i1
        %or3A_278 = arith.constant false
        %or3A_279 = arith.ori %or3A_277, %or3A_278 : i1
        %or3A_280 = arith.ori %or3A_279, %eq3A_137 : i1
        %add3A_281 = arith.constant 1 : i32
        %add3A_282 = arith.addi %scan3A_132, %add3A_281 : i32
        %select_n3A_283 = arith.select %or3A_280, %add3A_282, %scan3A_132 : i32
        %add3A_284 = arith.constant 1 : i32
        %add3A_285 = arith.addi %scan3A_133, %add3A_284 : i32
        %select_n3A_286 = arith.constant true
        %select_n3A_287 = arith.select %select_n3A_286, %add3A_285, %scan3A_133 : i32
        %eq3A_288 = arith.constant 2 : i32
        %eq3A_289 = arith.cmpi eq, %select_n3A_287, %eq3A_288 : i32
        %select_n3A_290 = arith.constant 0 : i32
        %select_n3A_291 = arith.select %eq3A_289, %select_n3A_290, %select_n3A_287 : i32
        scf.yield %select_n3A_176, %select_n3A_274, %select_n3A_194, %select_n3A_283, %select_n3A_291 : i32, i32, i32, i32, i32
      }
      %scan3A_92 = arith.constant 2 : i32
      %sub3A = arith.constant 1 : i32
      %sub3A_93 = arith.subi %scan3A_91#4, %sub3A : i32
      %select_n3A_94 = arith.constant true
      %select_n3A_95 = arith.select %select_n3A_94, %sub3A_93, %scan3A_91#4 : i32
      %eq3A_96 = arith.constant -1 : i32
      %eq3A_97 = arith.cmpi eq, %select_n3A_95, %eq3A_96 : i32
      %select_n3A_98 = arith.constant 1 : i32
      %select_n3A_99 = arith.select %eq3A_97, %select_n3A_98, %select_n3A_95 : i32
      %add3A_100 = arith.addi %select_n3A_99, %mul3A_6 : i32
      %sub3A_101 = arith.constant 1 : i32
      %sub3A_102 = arith.subi %select_n3A_99, %sub3A_101 : i32
      %select_n3A_103 = arith.constant true
      %select_n3A_104 = arith.select %select_n3A_103, %sub3A_102, %select_n3A_99 : i32
      %eq3A_105 = arith.constant -1 : i32
      %eq3A_106 = arith.cmpi eq, %select_n3A_104, %eq3A_105 : i32
      %select_n3A_107 = arith.constant 1 : i32
      %select_n3A_108 = arith.select %eq3A_106, %select_n3A_107, %select_n3A_104 : i32
      %add3A_109 = arith.addi %select_n3A_108, %mul3A_6 : i32
      %add3A_110 = arith.constant 1 : i32
      %add3A_111 = arith.addi %select_n3A_99, %add3A_110 : i32
      %select_n3A_112 = arith.constant true
      %select_n3A_113 = arith.select %select_n3A_112, %add3A_111, %select_n3A_99 : i32
      %eq3A_114 = arith.constant 2 : i32
      %eq3A_115 = arith.cmpi eq, %select_n3A_113, %eq3A_114 : i32
      %select_n3A_116 = arith.constant 0 : i32
      %select_n3A_117 = arith.select %eq3A_115, %select_n3A_116, %select_n3A_113 : i32
      %add3A_118 = arith.addi %select_n3A_117, %mul3A_6 : i32
      %add3A_119 = arith.constant 1 : i32
      %add3A_120 = arith.addi %select_n3A_117, %add3A_119 : i32
      %select_n3A_121 = arith.constant true
      %select_n3A_122 = arith.select %select_n3A_121, %add3A_120, %select_n3A_117 : i32
      %eq3A_123 = arith.constant 2 : i32
      %eq3A_124 = arith.cmpi eq, %select_n3A_122, %eq3A_123 : i32
      %select_n3A_125 = arith.constant 0 : i32
      %select_n3A_126 = arith.select %eq3A_124, %select_n3A_125, %select_n3A_122 : i32
      %add3A_127 = arith.addi %select_n3A_126, %mul3A_6 : i32
      tpu.yield
    }) : () -> ()
    return
  }
}

#map = affine_map<(d0, d1) -> (0, 0)>
module attributes {stable_mosaic.version = 14 : i64} {
  func.func @k(%arg0: i32, %arg1: i32, %arg2: memref<10240x1024xf32, #tpu.memory_space<hbm>>, %arg3: memref<64x128xi32, #tpu.memory_space<hbm>>, %arg4: memref<2048x1024xf32, #tpu.memory_space<hbm>>) attributes {dimension_semantics = [#tpu.dimension_semantics<core_parallel>, #tpu.dimension_semantics<subcore_parallel>], iteration_bounds = array<i64: 2, 16>, scalar_prefetch = 0 : i64, scratch_operands = 0 : i64, tpu.core_type = #tpu.core_type<sc_vector_subcore>, window_params = [{transform_indices = #map}, {transform_indices = #map}, {transform_indices = #map}]} {
    %mul3A = arith.constant 1 : i32
    %mul3A_0 = arith.muli %arg1, %mul3A : i32
    %add3A = arith.constant 0 : i32
    %add3A_1 = arith.addi %add3A, %mul3A_0 : i32
    %mul3A_2 = arith.constant 16 : i32
    %mul3A_3 = arith.muli %arg0, %mul3A_2 : i32
    %add3A_4 = arith.addi %add3A_1, %mul3A_3 : i32
    %mul3A_5 = arith.constant 2 : i32
    %mul3A_6 = arith.muli %add3A_4, %mul3A_5 : i32
    "tpu.region"() ({
      %run_scoped3A = memref.alloca() : memref<2x1x128xi32, #tpu.memory_space<vmem>>
      %run_scoped3A_7 = tpu.sem_alloc : memref<2x!tpu.dma_semaphore, #tpu.memory_space<semaphore_mem>>
      %run_scoped3A_8 = memref.alloca() : memref<2x32x1024xf32, #tpu.memory_space<vmem>>
      %run_scoped3A_9 = tpu.sem_alloc : memref<2x!tpu.dma_semaphore, #tpu.memory_space<semaphore_mem>>
      %add3A_10 = arith.constant 0 : i32
      %add3A_11 = arith.addi %add3A_10, %mul3A_6 : i32
      %select_n3A = arith.constant true
      %select_n3A_12 = arith.constant 0 : i32
      %select_n3A_13 = arith.constant -1 : i32
      %select_n3A_14 = arith.select %select_n3A, %select_n3A_13, %select_n3A_12 : i32
      %eq3A = arith.constant -1 : i32
      %eq3A_15 = arith.cmpi eq, %select_n3A_14, %eq3A : i32
      %select_n3A_16 = arith.constant 1 : i32
      %select_n3A_17 = arith.select %eq3A_15, %select_n3A_16, %select_n3A_14 : i32
      %add3A_18 = arith.addi %select_n3A_17, %mul3A_6 : i32
      %select_n3A_19 = arith.constant true
      %select_n3A_20 = arith.constant 0 : i32
      %select_n3A_21 = arith.constant 1 : i32
      %select_n3A_22 = arith.select %select_n3A_19, %select_n3A_21, %select_n3A_20 : i32
      %eq3A_23 = arith.constant 2 : i32
      %eq3A_24 = arith.cmpi eq, %select_n3A_22, %eq3A_23 : i32
      %select_n3A_25 = arith.constant 0 : i32
      %select_n3A_26 = arith.select %eq3A_24, %select_n3A_25, %select_n3A_22 : i32
      %add3A_27 = arith.addi %select_n3A_26, %mul3A_6 : i32
      %add3A_28 = arith.constant 1 : i32
      %add3A_29 = arith.addi %select_n3A_26, %add3A_28 : i32
      %select_n3A_30 = arith.constant true
      %select_n3A_31 = arith.select %select_n3A_30, %add3A_29, %select_n3A_26 : i32
      %eq3A_32 = arith.constant 2 : i32
      %eq3A_33 = arith.cmpi eq, %select_n3A_31, %eq3A_32 : i32
      %select_n3A_34 = arith.constant 0 : i32
      %select_n3A_35 = arith.select %eq3A_33, %select_n3A_34, %select_n3A_31 : i32
      %add3A_36 = arith.addi %select_n3A_35, %mul3A_6 : i32
      "tpu.trace_start"() <{level = 10 : i32, message = "ep_initialize_0"}> : () -> ()
      %rem3A = arith.constant 0 : i32
      %rem3A_37 = arith.constant 2 : i32
      %rem3A_38 = arith.remui %rem3A, %rem3A_37 : i32
      %mul3A_39 = arith.constant 1 : i32
      %mul3A_40 = arith.muli %mul3A_39, %add3A_11 : i32
      %dma_start3A = arith.constant 0 : i32
      %dma_start3A_41 = arith.constant 0 : i32
      %dma_start3A_42 = tpu.memref_slice %run_scoped3A[%rem3A_38, %dma_start3A, %dma_start3A_41] : memref<2x1x128xi32, #tpu.memory_space<vmem>> -> memref<1x1x128xi32, #tpu.memory_space<vmem>>
      %dma_start3A_43 = tpu.memref_squeeze %dma_start3A_42 : memref<1x1x128xi32, #tpu.memory_space<vmem>> -> memref<1x128xi32, #tpu.memory_space<vmem>>
      %dma_start3A_44 = arith.constant 0 : i32
      %dma_start3A_45 = tpu.memref_slice %arg3[%mul3A_40, %dma_start3A_44] : memref<64x128xi32, #tpu.memory_space<hbm>> -> memref<1x128xi32, #tpu.memory_space<hbm>>
      %dma_start3A_46 = tpu.memref_slice %run_scoped3A_7[%rem3A_38] : memref<2x!tpu.dma_semaphore, #tpu.memory_space<semaphore_mem>> -> memref<1x!tpu.dma_semaphore, #tpu.memory_space<semaphore_mem>>
      %dma_start3A_47 = tpu.memref_squeeze %dma_start3A_46 : memref<1x!tpu.dma_semaphore, #tpu.memory_space<semaphore_mem>> -> memref<!tpu.dma_semaphore, #tpu.memory_space<semaphore_mem>>
      %dma_start3A_48 = arith.constant 0 : i32
      %dma_start3A_49 = arith.constant 0 : i32
      %dma_start3A_50 = tpu.memref_slice %run_scoped3A[%rem3A_38, %dma_start3A_48, %dma_start3A_49] : memref<2x1x128xi32, #tpu.memory_space<vmem>> -> memref<1x1x128xi32, #tpu.memory_space<vmem>>
      %dma_start3A_51 = tpu.memref_squeeze %dma_start3A_50 : memref<1x1x128xi32, #tpu.memory_space<vmem>> -> memref<1x128xi32, #tpu.memory_space<vmem>>
      %dma_start3A_52 = arith.constant 0 : i32
      %dma_start3A_53 = tpu.memref_slice %arg3[%mul3A_40, %dma_start3A_52] : memref<64x128xi32, #tpu.memory_space<hbm>> -> memref<1x128xi32, #tpu.memory_space<hbm>>
      tpu.enqueue_dma source(%dma_start3A_53 : memref<1x128xi32, #tpu.memory_space<hbm>>) target(%dma_start3A_51 : memref<1x128xi32, #tpu.memory_space<vmem>>) target_semaphore(%dma_start3A_47 : memref<!tpu.dma_semaphore, #tpu.memory_space<semaphore_mem>>)
      %add3A_54 = arith.constant 0 : i32
      %add3A_55 = arith.constant 1 : i32
      %add3A_56 = arith.addi %add3A_54, %add3A_55 : i32
      %select_n3A_57 = arith.constant true
      %select_n3A_58 = arith.constant 0 : i32
      %select_n3A_59 = arith.select %select_n3A_57, %add3A_56, %select_n3A_58 : i32
      "tpu.trace_stop"() : () -> ()
      %scan3A = arith.constant 0 : i32
      %scan3A_60 = arith.constant 0 : i32
      %scan3A_61 = arith.constant 0 : i32
      %scan3A_62 = arith.constant 0 : i32
      %scan3A_63 = arith.constant 0 : i32
      %scan3A_64 = arith.constant 2 : i32
      %scan3A_65 = arith.addi %scan3A_63, %scan3A_64 : i32
      %scan3A_66 = arith.constant 1 : i32
      %scan3A_67:5 = scf.for %scan3A_121 = %scan3A_63 to %scan3A_65 step %scan3A_66 iter_args(%scan3A_122 = %select_n3A_59, %scan3A_123 = %scan3A, %scan3A_124 = %scan3A_60, %scan3A_125 = %scan3A_61, %scan3A_126 = %scan3A_62) -> (i32, i32, i32, i32, i32)  : i32 {
        %eq3A_127 = arith.constant 0 : i32
        %eq3A_128 = arith.cmpi eq, %scan3A_121, %eq3A_127 : i32
        %eq3A_129 = arith.constant 1 : i32
        %eq3A_130 = arith.cmpi eq, %scan3A_121, %eq3A_129 : i32
        %add3A_131 = arith.addi %scan3A_126, %mul3A_6 : i32
        %sub3A_132 = arith.constant 1 : i32
        %sub3A_133 = arith.subi %scan3A_126, %sub3A_132 : i32
        %select_n3A_134 = arith.constant true
        %select_n3A_135 = arith.select %select_n3A_134, %sub3A_133, %scan3A_126 : i32
        %eq3A_136 = arith.constant -1 : i32
        %eq3A_137 = arith.cmpi eq, %select_n3A_135, %eq3A_136 : i32
        %select_n3A_138 = arith.constant 1 : i32
        %select_n3A_139 = arith.select %eq3A_137, %select_n3A_138, %select_n3A_135 : i32
        %add3A_140 = arith.addi %select_n3A_139, %mul3A_6 : i32
        %add3A_141 = arith.constant 1 : i32
        %add3A_142 = arith.addi %scan3A_126, %add3A_141 : i32
        %select_n3A_143 = arith.constant true
        %select_n3A_144 = arith.select %select_n3A_143, %add3A_142, %scan3A_126 : i32
        %eq3A_145 = arith.constant 2 : i32
        %eq3A_146 = arith.cmpi eq, %select_n3A_144, %eq3A_145 : i32
        %select_n3A_147 = arith.constant 0 : i32
        %select_n3A_148 = arith.select %eq3A_146, %select_n3A_147, %select_n3A_144 : i32
        %add3A_149 = arith.addi %select_n3A_148, %mul3A_6 : i32
        %add3A_150 = arith.constant 1 : i32
        %add3A_151 = arith.addi %select_n3A_148, %add3A_150 : i32
        %select_n3A_152 = arith.constant true
        %select_n3A_153 = arith.select %select_n3A_152, %add3A_151, %select_n3A_148 : i32
        %eq3A_154 = arith.constant 2 : i32
        %eq3A_155 = arith.cmpi eq, %select_n3A_153, %eq3A_154 : i32
        %select_n3A_156 = arith.constant 0 : i32
        %select_n3A_157 = arith.select %eq3A_155, %select_n3A_156, %select_n3A_153 : i32
        %add3A_158 = arith.addi %select_n3A_157, %mul3A_6 : i32
        %ne3A = arith.cmpi ne, %add3A_131, %add3A_149 : i32
        %or3A = arith.constant false
        %or3A_159 = arith.ori %or3A, %ne3A : i1
        %or3A_160 = arith.constant false
        %or3A_161 = arith.ori %or3A_159, %or3A_160 : i1
        %ge3A = arith.constant 1 : i32
        %ge3A_162 = arith.cmpi sge, %scan3A_121, %ge3A : i32
        %not3A = arith.constant true
        %not3A_163 = arith.xori %ge3A_162, %not3A : i1
        %and3A = arith.andi %or3A_161, %not3A_163 : i1
        %convert_element_type3A = arith.extui %and3A : i1 to i32
        %cond3A = arith.constant 0 : i32
        %cond3A_164 = arith.cmpi ne, %convert_element_type3A, %cond3A : i32
        scf.if %cond3A_164 {
          "tpu.trace_start"() <{level = 10 : i32, message = "ep_copy_in"}> : () -> ()
          %rem3A_274 = arith.constant 2 : i32
          %rem3A_275 = arith.remui %scan3A_122, %rem3A_274 : i32
          %mul3A_276 = arith.constant 1 : i32
          %mul3A_277 = arith.muli %mul3A_276, %add3A_149 : i32
          %dma_start3A_278 = arith.constant 0 : i32
          %dma_start3A_279 = arith.constant 0 : i32
          %dma_start3A_280 = tpu.memref_slice %run_scoped3A[%rem3A_275, %dma_start3A_278, %dma_start3A_279] : memref<2x1x128xi32, #tpu.memory_space<vmem>> -> memref<1x1x128xi32, #tpu.memory_space<vmem>>
          %dma_start3A_281 = tpu.memref_squeeze %dma_start3A_280 : memref<1x1x128xi32, #tpu.memory_space<vmem>> -> memref<1x128xi32, #tpu.memory_space<vmem>>
          %dma_start3A_282 = arith.constant 0 : i32
          %dma_start3A_283 = tpu.memref_slice %arg3[%mul3A_277, %dma_start3A_282] : memref<64x128xi32, #tpu.memory_space<hbm>> -> memref<1x128xi32, #tpu.memory_space<hbm>>
          %dma_start3A_284 = tpu.memref_slice %run_scoped3A_7[%rem3A_275] : memref<2x!tpu.dma_semaphore, #tpu.memory_space<semaphore_mem>> -> memref<1x!tpu.dma_semaphore, #tpu.memory_space<semaphore_mem>>
          %dma_start3A_285 = tpu.memref_squeeze %dma_start3A_284 : memref<1x!tpu.dma_semaphore, #tpu.memory_space<semaphore_mem>> -> memref<!tpu.dma_semaphore, #tpu.memory_space<semaphore_mem>>
          %dma_start3A_286 = arith.constant 0 : i32
          %dma_start3A_287 = arith.constant 0 : i32
          %dma_start3A_288 = tpu.memref_slice %run_scoped3A[%rem3A_275, %dma_start3A_286, %dma_start3A_287] : memref<2x1x128xi32, #tpu.memory_space<vmem>> -> memref<1x1x128xi32, #tpu.memory_space<vmem>>
          %dma_start3A_289 = tpu.memref_squeeze %dma_start3A_288 : memref<1x1x128xi32, #tpu.memory_space<vmem>> -> memref<1x128xi32, #tpu.memory_space<vmem>>
          %dma_start3A_290 = arith.constant 0 : i32
          %dma_start3A_291 = tpu.memref_slice %arg3[%mul3A_277, %dma_start3A_290] : memref<64x128xi32, #tpu.memory_space<hbm>> -> memref<1x128xi32, #tpu.memory_space<hbm>>
          tpu.enqueue_dma source(%dma_start3A_291 : memref<1x128xi32, #tpu.memory_space<hbm>>) target(%dma_start3A_289 : memref<1x128xi32, #tpu.memory_space<vmem>>) target_semaphore(%dma_start3A_285 : memref<!tpu.dma_semaphore, #tpu.memory_space<semaphore_mem>>)
          "tpu.trace_stop"() : () -> ()
        } else {
        }
        %and3A_165 = arith.constant true
        %and3A_166 = arith.andi %and3A, %and3A_165 : i1
        %add3A_167 = arith.constant 1 : i32
        %add3A_168 = arith.addi %scan3A_122, %add3A_167 : i32
        %select_n3A_169 = arith.select %and3A_166, %add3A_168, %scan3A_122 : i32
        %ne3A_170 = arith.cmpi ne, %add3A_131, %add3A_149 : i32
        %or3A_171 = arith.constant false
        %or3A_172 = arith.ori %or3A_171, %ne3A_170 : i1
        %or3A_173 = arith.constant false
        %or3A_174 = arith.ori %or3A_172, %or3A_173 : i1
        %ge3A_175 = arith.constant 1 : i32
        %ge3A_176 = arith.cmpi sge, %scan3A_121, %ge3A_175 : i32
        %not3A_177 = arith.constant true
        %not3A_178 = arith.xori %ge3A_176, %not3A_177 : i1
        %and3A_179 = arith.andi %or3A_174, %not3A_178 : i1
        %ne3A_180 = arith.cmpi ne, %add3A_131, %add3A_140 : i32
        %or3A_181 = arith.constant false
        %or3A_182 = arith.ori %or3A_181, %ne3A_180 : i1
        %or3A_183 = arith.constant false
        %or3A_184 = arith.ori %or3A_182, %or3A_183 : i1
        %or3A_185 = arith.ori %or3A_184, %eq3A_128 : i1
        %convert_element_type3A_186 = arith.extui %or3A_185 : i1 to i32
        %cond3A_187 = arith.constant 0 : i32
        %cond3A_188 = arith.cmpi ne, %convert_element_type3A_186, %cond3A_187 : i32
        scf.if %cond3A_188 {
          "tpu.trace_start"() <{level = 10 : i32, message = "ep_wait_in"}> : () -> ()
          %mul3A_274 = arith.constant 1 : i32
          %mul3A_275 = arith.muli %mul3A_274, %add3A_131 : i32
          %rem3A_276 = arith.constant 2 : i32
          %rem3A_277 = arith.remui %scan3A_123, %rem3A_276 : i32
          %dma_wait3A_278 = arith.constant 0 : i32
          %dma_wait3A_279 = arith.constant 0 : i32
          %dma_wait3A_280 = tpu.memref_slice %run_scoped3A[%rem3A_277, %dma_wait3A_278, %dma_wait3A_279] : memref<2x1x128xi32, #tpu.memory_space<vmem>> -> memref<1x1x128xi32, #tpu.memory_space<vmem>>
          %dma_wait3A_281 = tpu.memref_squeeze %dma_wait3A_280 : memref<1x1x128xi32, #tpu.memory_space<vmem>> -> memref<1x128xi32, #tpu.memory_space<vmem>>
          %dma_wait3A_282 = arith.constant 0 : i32
          %dma_wait3A_283 = tpu.memref_slice %arg3[%mul3A_275, %dma_wait3A_282] : memref<64x128xi32, #tpu.memory_space<hbm>> -> memref<1x128xi32, #tpu.memory_space<hbm>>
          %dma_wait3A_284 = tpu.memref_slice %run_scoped3A_7[%rem3A_277] : memref<2x!tpu.dma_semaphore, #tpu.memory_space<semaphore_mem>> -> memref<1x!tpu.dma_semaphore, #tpu.memory_space<semaphore_mem>>
          %dma_wait3A_285 = tpu.memref_squeeze %dma_wait3A_284 : memref<1x!tpu.dma_semaphore, #tpu.memory_space<semaphore_mem>> -> memref<!tpu.dma_semaphore, #tpu.memory_space<semaphore_mem>>
          %dma_wait3A_286 = arith.constant 0 : i32
          %dma_wait3A_287 = arith.constant 0 : i32
          %dma_wait3A_288 = tpu.memref_slice %run_scoped3A[%rem3A_277, %dma_wait3A_286, %dma_wait3A_287] : memref<2x1x128xi32, #tpu.memory_space<vmem>> -> memref<1x1x128xi32, #tpu.memory_space<vmem>>
          %dma_wait3A_289 = tpu.memref_squeeze %dma_wait3A_288 : memref<1x1x128xi32, #tpu.memory_space<vmem>> -> memref<1x128xi32, #tpu.memory_space<vmem>>
          %dma_wait3A_290 = arith.constant 0 : i32
          %dma_wait3A_291 = tpu.memref_slice %arg3[%mul3A_275, %dma_wait3A_290] : memref<64x128xi32, #tpu.memory_space<hbm>> -> memref<1x128xi32, #tpu.memory_space<hbm>>
          tpu.wait_dma2 semaphore(%dma_wait3A_285 : memref<!tpu.dma_semaphore, #tpu.memory_space<semaphore_mem>>) src(%dma_wait3A_291 : memref<1x128xi32, #tpu.memory_space<hbm>>) dst(%dma_wait3A_289 : memref<1x128xi32, #tpu.memory_space<vmem>>)
          "tpu.trace_stop"() : () -> ()
        } else {
        }
        %ne3A_189 = arith.cmpi ne, %add3A_131, %add3A_140 : i32
        %or3A_190 = arith.constant false
        %or3A_191 = arith.ori %or3A_190, %ne3A_189 : i1
        %or3A_192 = arith.constant false
        %or3A_193 = arith.ori %or3A_191, %or3A_192 : i1
        %or3A_194 = arith.ori %or3A_193, %eq3A_128 : i1
        %convert_element_type3A_195 = arith.extui %or3A_194 : i1 to i32
        %cond3A_196 = arith.constant 0 : i32
        %cond3A_197 = arith.cmpi ne, %convert_element_type3A_195, %cond3A_196 : i32
        scf.if %cond3A_197 {
        } else {
        }
        %rem3A_198 = arith.constant 2 : i32
        %rem3A_199 = arith.remui %scan3A_123, %rem3A_198 : i32
        %rem3A_200 = arith.constant 2 : i32
        %rem3A_201 = arith.remui %scan3A_124, %rem3A_200 : i32
        %run_scoped3A_202 = arith.constant 0 : i32
        "tpu.trace_start"() <{level = 10 : i32, message = "ep_run_kernel"}> : () -> ()
        "tpu.region"() ({
          %run_scoped3A_274 = tpu.sem_alloc : memref<!tpu.dma_semaphore, #tpu.memory_space<semaphore_mem>>
          %dma_start3A_275 = arith.constant 0 : i32
          %dma_start3A_276 = arith.constant 0 : i32
          %dma_start3A_277 = tpu.memref_slice %run_scoped3A_8[%rem3A_201, %dma_start3A_275, %dma_start3A_276] : memref<2x32x1024xf32, #tpu.memory_space<vmem>> -> memref<1x32x1024xf32, #tpu.memory_space<vmem>>
          %dma_start3A_278 = tpu.memref_squeeze %dma_start3A_277 : memref<1x32x1024xf32, #tpu.memory_space<vmem>> -> memref<32x1024xf32, #tpu.memory_space<vmem>>
          %dma_start3A_279 = arith.constant 0 : i32
          %dma_start3A_280 = arith.constant 0 : i32
          %dma_start3A_281 = tpu.memref_slice %run_scoped3A[%rem3A_199, %dma_start3A_279, %dma_start3A_280] : memref<2x1x128xi32, #tpu.memory_space<vmem>> -> memref<1x1x128xi32, #tpu.memory_space<vmem>>
          %dma_start3A_282 = tpu.memref_squeeze %dma_start3A_281 : memref<1x1x128xi32, #tpu.memory_space<vmem>> -> memref<1x128xi32, #tpu.memory_space<vmem>>
          %dma_start3A_283 = arith.constant 0 : i32
          %dma_start3A_284 = tpu.memref_slice %dma_start3A_282[%run_scoped3A_202, %dma_start3A_283] : memref<1x128xi32, #tpu.memory_space<vmem>> -> memref<1x32xi32, #tpu.memory_space<vmem>>
          %dma_start3A_285 = tpu.memref_squeeze %dma_start3A_284 : memref<1x32xi32, #tpu.memory_space<vmem>> -> memref<32xi32, #tpu.memory_space<vmem>>
          %dma_start3A_286 = arith.constant 0 : i32
          %dma_start3A_287 = arith.constant 0 : i32
          %dma_start3A_288 = tpu.memref_slice %arg2[%dma_start3A_286, %dma_start3A_287] : memref<10240x1024xf32, #tpu.memory_space<hbm>> -> memref<10240x1024xf32, #tpu.memory_space<hbm>>
          tpu.enqueue_indirect_dma source(%dma_start3A_288 : memref<10240x1024xf32, #tpu.memory_space<hbm>>) target(%dma_start3A_278 : memref<32x1024xf32, #tpu.memory_space<vmem>>) offsets(%dma_start3A_285 : memref<32xi32, #tpu.memory_space<vmem>>) semaphore(%run_scoped3A_274 : memref<!tpu.dma_semaphore, #tpu.memory_space<semaphore_mem>>)
          %dma_wait3A_289 = arith.constant 0 : i32
          %dma_wait3A_290 = arith.constant 0 : i32
          %dma_wait3A_291 = tpu.memref_slice %run_scoped3A_8[%rem3A_201, %dma_wait3A_289, %dma_wait3A_290] : memref<2x32x1024xf32, #tpu.memory_space<vmem>> -> memref<1x32x1024xf32, #tpu.memory_space<vmem>>
          %dma_wait3A_292 = tpu.memref_squeeze %dma_wait3A_291 : memref<1x32x1024xf32, #tpu.memory_space<vmem>> -> memref<32x1024xf32, #tpu.memory_space<vmem>>
          %dma_wait3A_293 = arith.constant 0 : i32
          %dma_wait3A_294 = arith.constant 0 : i32
          %dma_wait3A_295 = tpu.memref_slice %run_scoped3A[%rem3A_199, %dma_wait3A_293, %dma_wait3A_294] : memref<2x1x128xi32, #tpu.memory_space<vmem>> -> memref<1x1x128xi32, #tpu.memory_space<vmem>>
          %dma_wait3A_296 = tpu.memref_squeeze %dma_wait3A_295 : memref<1x1x128xi32, #tpu.memory_space<vmem>> -> memref<1x128xi32, #tpu.memory_space<vmem>>
          %dma_wait3A_297 = arith.constant 0 : i32
          %dma_wait3A_298 = tpu.memref_slice %dma_wait3A_296[%run_scoped3A_202, %dma_wait3A_297] : memref<1x128xi32, #tpu.memory_space<vmem>> -> memref<1x32xi32, #tpu.memory_space<vmem>>
          %dma_wait3A_299 = tpu.memref_squeeze %dma_wait3A_298 : memref<1x32xi32, #tpu.memory_space<vmem>> -> memref<32xi32, #tpu.memory_space<vmem>>
          %dma_wait3A_300 = arith.constant 0 : i32
          %dma_wait3A_301 = arith.constant 0 : i32
          %dma_wait3A_302 = tpu.memref_slice %arg2[%dma_wait3A_300, %dma_wait3A_301] : memref<10240x1024xf32, #tpu.memory_space<hbm>> -> memref<10240x1024xf32, #tpu.memory_space<hbm>>
          tpu.wait_indirect_dma semaphore(%run_scoped3A_274 : memref<!tpu.dma_semaphore, #tpu.memory_space<semaphore_mem>>) src(%dma_wait3A_302 : memref<10240x1024xf32, #tpu.memory_space<hbm>>) dst(%dma_wait3A_292 : memref<32x1024xf32, #tpu.memory_space<vmem>>)
          tpu.yield
        }) : () -> ()
        "tpu.trace_stop"() : () -> ()
        %ne3A_203 = arith.cmpi ne, %add3A_131, %add3A_149 : i32
        %or3A_204 = arith.constant false
        %or3A_205 = arith.ori %or3A_204, %ne3A_203 : i1
        %or3A_206 = arith.constant false
        %or3A_207 = arith.ori %or3A_205, %or3A_206 : i1
        %or3A_208 = arith.ori %or3A_207, %eq3A_130 : i1
        %convert_element_type3A_209 = arith.extui %or3A_208 : i1 to i32
        %cond3A_210 = arith.constant 0 : i32
        %cond3A_211 = arith.cmpi ne, %convert_element_type3A_209, %cond3A_210 : i32
        scf.if %cond3A_211 {
        } else {
        }
        %and3A_212 = arith.constant false
        %and3A_213 = arith.andi %or3A_208, %and3A_212 : i1
        %ne3A_214 = arith.cmpi ne, %add3A_131, %add3A_149 : i32
        %or3A_215 = arith.constant false
        %or3A_216 = arith.ori %or3A_215, %ne3A_214 : i1
        %or3A_217 = arith.constant false
        %or3A_218 = arith.ori %or3A_216, %or3A_217 : i1
        %or3A_219 = arith.ori %or3A_218, %eq3A_130 : i1
        %convert_element_type3A_220 = arith.extui %or3A_219 : i1 to i32
        %cond3A_221 = arith.constant 0 : i32
        %cond3A_222 = arith.cmpi ne, %convert_element_type3A_220, %cond3A_221 : i32
        scf.if %cond3A_222 {
          "tpu.trace_start"() <{level = 10 : i32, message = "ep_copy_out"}> : () -> ()
          %rem3A_274 = arith.constant 2 : i32
          %rem3A_275 = arith.remui %scan3A_124, %rem3A_274 : i32
          %mul3A_276 = arith.constant 32 : i32
          %mul3A_277 = arith.muli %mul3A_276, %add3A_131 : i32
          %dma_start3A_278 = arith.constant 0 : i32
          %dma_start3A_279 = arith.constant 0 : i32
          %dma_start3A_280 = tpu.memref_slice %run_scoped3A_8[%rem3A_275, %dma_start3A_278, %dma_start3A_279] : memref<2x32x1024xf32, #tpu.memory_space<vmem>> -> memref<1x32x1024xf32, #tpu.memory_space<vmem>>
          %dma_start3A_281 = tpu.memref_squeeze %dma_start3A_280 : memref<1x32x1024xf32, #tpu.memory_space<vmem>> -> memref<32x1024xf32, #tpu.memory_space<vmem>>
          %dma_start3A_282 = arith.constant 0 : i32
          %dma_start3A_283 = tpu.memref_slice %arg4[%mul3A_277, %dma_start3A_282] : memref<2048x1024xf32, #tpu.memory_space<hbm>> -> memref<32x1024xf32, #tpu.memory_space<hbm>>
          %dma_start3A_284 = tpu.memref_slice %run_scoped3A_9[%rem3A_275] : memref<2x!tpu.dma_semaphore, #tpu.memory_space<semaphore_mem>> -> memref<1x!tpu.dma_semaphore, #tpu.memory_space<semaphore_mem>>
          %dma_start3A_285 = tpu.memref_squeeze %dma_start3A_284 : memref<1x!tpu.dma_semaphore, #tpu.memory_space<semaphore_mem>> -> memref<!tpu.dma_semaphore, #tpu.memory_space<semaphore_mem>>
          %dma_start3A_286 = arith.constant 0 : i32
          %dma_start3A_287 = tpu.memref_slice %arg4[%mul3A_277, %dma_start3A_286] : memref<2048x1024xf32, #tpu.memory_space<hbm>> -> memref<32x1024xf32, #tpu.memory_space<hbm>>
          %dma_start3A_288 = arith.constant 0 : i32
          %dma_start3A_289 = arith.constant 0 : i32
          %dma_start3A_290 = tpu.memref_slice %run_scoped3A_8[%rem3A_275, %dma_start3A_288, %dma_start3A_289] : memref<2x32x1024xf32, #tpu.memory_space<vmem>> -> memref<1x32x1024xf32, #tpu.memory_space<vmem>>
          %dma_start3A_291 = tpu.memref_squeeze %dma_start3A_290 : memref<1x32x1024xf32, #tpu.memory_space<vmem>> -> memref<32x1024xf32, #tpu.memory_space<vmem>>
          tpu.enqueue_dma source(%dma_start3A_291 : memref<32x1024xf32, #tpu.memory_space<vmem>>) target(%dma_start3A_287 : memref<32x1024xf32, #tpu.memory_space<hbm>>) target_semaphore(%dma_start3A_285 : memref<!tpu.dma_semaphore, #tpu.memory_space<semaphore_mem>>)
          "tpu.trace_stop"() : () -> ()
        } else {
        }
        %and3A_223 = arith.constant true
        %and3A_224 = arith.andi %or3A_219, %and3A_223 : i1
        %add3A_225 = arith.constant 1 : i32
        %add3A_226 = arith.addi %scan3A_124, %add3A_225 : i32
        %select_n3A_227 = arith.select %and3A_224, %add3A_226, %scan3A_124 : i32
        %ne3A_228 = arith.cmpi ne, %add3A_131, %add3A_140 : i32
        %or3A_229 = arith.constant false
        %or3A_230 = arith.ori %or3A_229, %ne3A_228 : i1
        %or3A_231 = arith.constant false
        %or3A_232 = arith.ori %or3A_230, %or3A_231 : i1
        %not3A_233 = arith.constant true
        %not3A_234 = arith.xori %eq3A_128, %not3A_233 : i1
        %and3A_235 = arith.andi %or3A_232, %not3A_234 : i1
        %convert_element_type3A_236 = arith.extui %and3A_235 : i1 to i32
        %cond3A_237 = arith.constant 0 : i32
        %cond3A_238 = arith.cmpi ne, %convert_element_type3A_236, %cond3A_237 : i32
        scf.if %cond3A_238 {
        } else {
        }
        %and3A_239 = arith.constant false
        %and3A_240 = arith.andi %and3A_235, %and3A_239 : i1
        %ne3A_241 = arith.cmpi ne, %add3A_131, %add3A_140 : i32
        %or3A_242 = arith.constant false
        %or3A_243 = arith.ori %or3A_242, %ne3A_241 : i1
        %or3A_244 = arith.constant false
        %or3A_245 = arith.ori %or3A_243, %or3A_244 : i1
        %not3A_246 = arith.constant true
        %not3A_247 = arith.xori %eq3A_128, %not3A_246 : i1
        %and3A_248 = arith.andi %or3A_245, %not3A_247 : i1
        %convert_element_type3A_249 = arith.extui %and3A_248 : i1 to i32
        %cond3A_250 = arith.constant 0 : i32
        %cond3A_251 = arith.cmpi ne, %convert_element_type3A_249, %cond3A_250 : i32
        scf.if %cond3A_251 {
          "tpu.trace_start"() <{level = 10 : i32, message = "ep_wait_out"}> : () -> ()
          %rem3A_274 = arith.constant 2 : i32
          %rem3A_275 = arith.remui %scan3A_125, %rem3A_274 : i32
          %mul3A_276 = arith.constant 32 : i32
          %mul3A_277 = arith.muli %mul3A_276, %add3A_140 : i32
          %dma_wait3A_278 = arith.constant 0 : i32
          %dma_wait3A_279 = arith.constant 0 : i32
          %dma_wait3A_280 = tpu.memref_slice %run_scoped3A_8[%rem3A_275, %dma_wait3A_278, %dma_wait3A_279] : memref<2x32x1024xf32, #tpu.memory_space<vmem>> -> memref<1x32x1024xf32, #tpu.memory_space<vmem>>
          %dma_wait3A_281 = tpu.memref_squeeze %dma_wait3A_280 : memref<1x32x1024xf32, #tpu.memory_space<vmem>> -> memref<32x1024xf32, #tpu.memory_space<vmem>>
          %dma_wait3A_282 = arith.constant 0 : i32
          %dma_wait3A_283 = tpu.memref_slice %arg4[%mul3A_277, %dma_wait3A_282] : memref<2048x1024xf32, #tpu.memory_space<hbm>> -> memref<32x1024xf32, #tpu.memory_space<hbm>>
          %dma_wait3A_284 = tpu.memref_slice %run_scoped3A_9[%rem3A_275] : memref<2x!tpu.dma_semaphore, #tpu.memory_space<semaphore_mem>> -> memref<1x!tpu.dma_semaphore, #tpu.memory_space<semaphore_mem>>
          %dma_wait3A_285 = tpu.memref_squeeze %dma_wait3A_284 : memref<1x!tpu.dma_semaphore, #tpu.memory_space<semaphore_mem>> -> memref<!tpu.dma_semaphore, #tpu.memory_space<semaphore_mem>>
          %dma_wait3A_286 = arith.constant 0 : i32
          %dma_wait3A_287 = tpu.memref_slice %arg4[%mul3A_277, %dma_wait3A_286] : memref<2048x1024xf32, #tpu.memory_space<hbm>> -> memref<32x1024xf32, #tpu.memory_space<hbm>>
          %dma_wait3A_288 = arith.constant 0 : i32
          %dma_wait3A_289 = arith.constant 0 : i32
          %dma_wait3A_290 = tpu.memref_slice %run_scoped3A_8[%rem3A_275, %dma_wait3A_288, %dma_wait3A_289] : memref<2x32x1024xf32, #tpu.memory_space<vmem>> -> memref<1x32x1024xf32, #tpu.memory_space<vmem>>
          %dma_wait3A_291 = tpu.memref_squeeze %dma_wait3A_290 : memref<1x32x1024xf32, #tpu.memory_space<vmem>> -> memref<32x1024xf32, #tpu.memory_space<vmem>>
          tpu.wait_dma2 semaphore(%dma_wait3A_285 : memref<!tpu.dma_semaphore, #tpu.memory_space<semaphore_mem>>) src(%dma_wait3A_291 : memref<32x1024xf32, #tpu.memory_space<vmem>>) dst(%dma_wait3A_287 : memref<32x1024xf32, #tpu.memory_space<hbm>>)
          "tpu.trace_stop"() : () -> ()
        } else {
        }
        %and3A_252 = arith.constant true
        %and3A_253 = arith.andi %and3A_248, %and3A_252 : i1
        %add3A_254 = arith.constant 1 : i32
        %add3A_255 = arith.addi %scan3A_125, %add3A_254 : i32
        %select_n3A_256 = arith.select %and3A_253, %add3A_255, %scan3A_125 : i32
        %ne3A_257 = arith.cmpi ne, %add3A_131, %add3A_149 : i32
        %or3A_258 = arith.constant false
        %or3A_259 = arith.ori %or3A_258, %ne3A_257 : i1
        %or3A_260 = arith.constant false
        %or3A_261 = arith.ori %or3A_259, %or3A_260 : i1
        %or3A_262 = arith.ori %or3A_261, %eq3A_130 : i1
        %add3A_263 = arith.constant 1 : i32
        %add3A_264 = arith.addi %scan3A_123, %add3A_263 : i32
        %select_n3A_265 = arith.select %or3A_262, %add3A_264, %scan3A_123 : i32
        %add3A_266 = arith.constant 1 : i32
        %add3A_267 = arith.addi %scan3A_126, %add3A_266 : i32
        %select_n3A_268 = arith.constant true
        %select_n3A_269 = arith.select %select_n3A_268, %add3A_267, %scan3A_126 : i32
        %eq3A_270 = arith.constant 2 : i32
        %eq3A_271 = arith.cmpi eq, %select_n3A_269, %eq3A_270 : i32
        %select_n3A_272 = arith.constant 0 : i32
        %select_n3A_273 = arith.select %eq3A_271, %select_n3A_272, %select_n3A_269 : i32
        scf.yield %select_n3A_169, %select_n3A_265, %select_n3A_227, %select_n3A_256, %select_n3A_273 : i32, i32, i32, i32, i32
      }
      %scan3A_68 = arith.constant 2 : i32
      %sub3A = arith.constant 1 : i32
      %sub3A_69 = arith.subi %scan3A_67#4, %sub3A : i32
      %select_n3A_70 = arith.constant true
      %select_n3A_71 = arith.select %select_n3A_70, %sub3A_69, %scan3A_67#4 : i32
      %eq3A_72 = arith.constant -1 : i32
      %eq3A_73 = arith.cmpi eq, %select_n3A_71, %eq3A_72 : i32
      %select_n3A_74 = arith.constant 1 : i32
      %select_n3A_75 = arith.select %eq3A_73, %select_n3A_74, %select_n3A_71 : i32
      %add3A_76 = arith.addi %select_n3A_75, %mul3A_6 : i32
      %sub3A_77 = arith.constant 1 : i32
      %sub3A_78 = arith.subi %select_n3A_75, %sub3A_77 : i32
      %select_n3A_79 = arith.constant true
      %select_n3A_80 = arith.select %select_n3A_79, %sub3A_78, %select_n3A_75 : i32
      %eq3A_81 = arith.constant -1 : i32
      %eq3A_82 = arith.cmpi eq, %select_n3A_80, %eq3A_81 : i32
      %select_n3A_83 = arith.constant 1 : i32
      %select_n3A_84 = arith.select %eq3A_82, %select_n3A_83, %select_n3A_80 : i32
      %add3A_85 = arith.addi %select_n3A_84, %mul3A_6 : i32
      %add3A_86 = arith.constant 1 : i32
      %add3A_87 = arith.addi %select_n3A_75, %add3A_86 : i32
      %select_n3A_88 = arith.constant true
      %select_n3A_89 = arith.select %select_n3A_88, %add3A_87, %select_n3A_75 : i32
      %eq3A_90 = arith.constant 2 : i32
      %eq3A_91 = arith.cmpi eq, %select_n3A_89, %eq3A_90 : i32
      %select_n3A_92 = arith.constant 0 : i32
      %select_n3A_93 = arith.select %eq3A_91, %select_n3A_92, %select_n3A_89 : i32
      %add3A_94 = arith.addi %select_n3A_93, %mul3A_6 : i32
      %add3A_95 = arith.constant 1 : i32
      %add3A_96 = arith.addi %select_n3A_93, %add3A_95 : i32
      %select_n3A_97 = arith.constant true
      %select_n3A_98 = arith.select %select_n3A_97, %add3A_96, %select_n3A_93 : i32
      %eq3A_99 = arith.constant 2 : i32
      %eq3A_100 = arith.cmpi eq, %select_n3A_98, %eq3A_99 : i32
      %select_n3A_101 = arith.constant 0 : i32
      %select_n3A_102 = arith.select %eq3A_100, %select_n3A_101, %select_n3A_98 : i32
      %add3A_103 = arith.addi %select_n3A_102, %mul3A_6 : i32
      "tpu.trace_start"() <{level = 10 : i32, message = "ep_finalize"}> : () -> ()
      %rem3A_104 = arith.constant 2 : i32
      %rem3A_105 = arith.remui %scan3A_67#3, %rem3A_104 : i32
      %mul3A_106 = arith.constant 32 : i32
      %mul3A_107 = arith.muli %mul3A_106, %add3A_76 : i32
      %dma_wait3A = arith.constant 0 : i32
      %dma_wait3A_108 = arith.constant 0 : i32
      %dma_wait3A_109 = tpu.memref_slice %run_scoped3A_8[%rem3A_105, %dma_wait3A, %dma_wait3A_108] : memref<2x32x1024xf32, #tpu.memory_space<vmem>> -> memref<1x32x1024xf32, #tpu.memory_space<vmem>>
      %dma_wait3A_110 = tpu.memref_squeeze %dma_wait3A_109 : memref<1x32x1024xf32, #tpu.memory_space<vmem>> -> memref<32x1024xf32, #tpu.memory_space<vmem>>
      %dma_wait3A_111 = arith.constant 0 : i32
      %dma_wait3A_112 = tpu.memref_slice %arg4[%mul3A_107, %dma_wait3A_111] : memref<2048x1024xf32, #tpu.memory_space<hbm>> -> memref<32x1024xf32, #tpu.memory_space<hbm>>
      %dma_wait3A_113 = tpu.memref_slice %run_scoped3A_9[%rem3A_105] : memref<2x!tpu.dma_semaphore, #tpu.memory_space<semaphore_mem>> -> memref<1x!tpu.dma_semaphore, #tpu.memory_space<semaphore_mem>>
      %dma_wait3A_114 = tpu.memref_squeeze %dma_wait3A_113 : memref<1x!tpu.dma_semaphore, #tpu.memory_space<semaphore_mem>> -> memref<!tpu.dma_semaphore, #tpu.memory_space<semaphore_mem>>
      %dma_wait3A_115 = arith.constant 0 : i32
      %dma_wait3A_116 = tpu.memref_slice %arg4[%mul3A_107, %dma_wait3A_115] : memref<2048x1024xf32, #tpu.memory_space<hbm>> -> memref<32x1024xf32, #tpu.memory_space<hbm>>
      %dma_wait3A_117 = arith.constant 0 : i32
      %dma_wait3A_118 = arith.constant 0 : i32
      %dma_wait3A_119 = tpu.memref_slice %run_scoped3A_8[%rem3A_105, %dma_wait3A_117, %dma_wait3A_118] : memref<2x32x1024xf32, #tpu.memory_space<vmem>> -> memref<1x32x1024xf32, #tpu.memory_space<vmem>>
      %dma_wait3A_120 = tpu.memref_squeeze %dma_wait3A_119 : memref<1x32x1024xf32, #tpu.memory_space<vmem>> -> memref<32x1024xf32, #tpu.memory_space<vmem>>
      tpu.wait_dma2 semaphore(%dma_wait3A_114 : memref<!tpu.dma_semaphore, #tpu.memory_space<semaphore_mem>>) src(%dma_wait3A_120 : memref<32x1024xf32, #tpu.memory_space<vmem>>) dst(%dma_wait3A_116 : memref<32x1024xf32, #tpu.memory_space<hbm>>)
      "tpu.trace_stop"() : () -> ()
      tpu.yield
    }) : () -> ()
    return
  }
}

module attributes {stable_mosaic.version = 14 : i64} {
  func.func @_router_body(%arg0: memref<2048x1024xf32, #tpu.memory_space<vmem>>, %arg1: memref<64x1024xf32, #tpu.memory_space<vmem>>, %arg2: memref<2048x1xi32, #tpu.memory_space<vmem>>, %arg3: memref<80x1xi32, #tpu.memory_space<vmem>>) attributes {dimension_semantics = [], scalar_prefetch = 0 : i64, scratch_operands = 0 : i64, tpu.core_type = #tpu.core_type<tc>} {
    %get3A = arith.constant 0 : index
    %get3A_0 = arith.constant 0 : index
    %get3A_1 = vector.load %arg0[%get3A, %get3A_0] : memref<2048x1024xf32, #tpu.memory_space<vmem>>, vector<2048x1024xf32>
    %get3A_2 = arith.constant 0 : index
    %get3A_3 = arith.constant 0 : index
    %get3A_4 = vector.load %arg1[%get3A_2, %get3A_3] : memref<64x1024xf32, #tpu.memory_space<vmem>>, vector<64x1024xf32>
    %dot_general3A = arith.constant dense<0.000000e+00> : vector<2048x64xf32>
    %dot_general3A_5 = tpu.matmul %get3A_1, %get3A_4, %dot_general3A {dimension_numbers = #tpu.dot_dimension_numbers<[1], [1], [0], [0], [0, 0, 1, 0], [], []>, transpose_lhs_hint = false} : vector<2048x1024xf32>, vector<64x1024xf32>, vector<2048x64xf32> -> vector<2048x64xf32>
    %reduce_max3A = arith.constant dense<0xFF800000> : vector<2048xf32>
    %reduce_max3A_6 = vector.multi_reduction <maximumf>, %dot_general3A_5, %reduce_max3A [1] : vector<2048x64xf32> to vector<2048xf32>
    %max3A = arith.constant 0xFF800000 : f32
    %max3A_7 = vector.broadcast %max3A : f32 to vector<2048xf32>
    %max3A_8 = arith.maximumf %max3A_7, %reduce_max3A_6 : vector<2048xf32>
    %broadcast_in_dim3A = vector.shape_cast %max3A_8 : vector<2048xf32> to vector<2048x1xf32>
    %sub3A = vector.broadcast %broadcast_in_dim3A : vector<2048x1xf32> to vector<2048x64xf32>
    %sub3A_9 = arith.subf %dot_general3A_5, %sub3A : vector<2048x64xf32>
    %exp3A = math.exp %sub3A_9 : vector<2048x64xf32>
    %reduce_sum3A = arith.constant dense<0.000000e+00> : vector<2048xf32>
    %reduce_sum3A_10 = vector.multi_reduction <add>, %exp3A, %reduce_sum3A [1] : vector<2048x64xf32> to vector<2048xf32>
    %broadcast_in_dim3A_11 = vector.shape_cast %reduce_sum3A_10 : vector<2048xf32> to vector<2048x1xf32>
    %div3A = vector.broadcast %broadcast_in_dim3A_11 : vector<2048x1xf32> to vector<2048x64xf32>
    %div3A_12 = arith.divf %exp3A, %div3A : vector<2048x64xf32>
    %argmax3A = tpu.reduce_index %div3A_12 {axis = 1 : i32, kind = #tpu.reduction_kind<arg_max>} : vector<2048x64xf32> -> vector<2048xi32>
    %broadcast_in_dim3A_13 = vector.shape_cast %argmax3A : vector<2048xi32> to vector<2048x1xi32>
    %iota3A = tpu.iota {dimensions = array<i32: 1>} : vector<2048x64xi32>
    %eq3A = vector.broadcast %broadcast_in_dim3A_13 : vector<2048x1xi32> to vector<2048x64xi32>
    %eq3A_14 = arith.cmpi eq, %iota3A, %eq3A : vector<2048x64xi32>
    %convert_element_type3A = arith.extui %eq3A_14 : vector<2048x64xi1> to vector<2048x64xi32>
    %convert_element_type3A_15 = arith.sitofp %convert_element_type3A : vector<2048x64xi32> to vector<2048x64xf32>
    %iota3A_16 = tpu.iota {dimensions = array<i32: 0>} : vector<2048x2048xi32>
    %iota3A_17 = tpu.iota {dimensions = array<i32: 1>} : vector<2048x2048xi32>
    %lt3A = arith.cmpi slt, %iota3A_17, %iota3A_16 : vector<2048x2048xi32>
    %convert_element_type3A_18 = arith.extui %lt3A : vector<2048x2048xi1> to vector<2048x2048xi32>
    %convert_element_type3A_19 = arith.sitofp %convert_element_type3A_18 : vector<2048x2048xi32> to vector<2048x2048xf32>
    %convert_element_type3A_20 = arith.truncf %convert_element_type3A_19 : vector<2048x2048xf32> to vector<2048x2048xbf16>
    %convert_element_type3A_21 = arith.extui %eq3A_14 : vector<2048x64xi1> to vector<2048x64xi32>
    %convert_element_type3A_22 = arith.sitofp %convert_element_type3A_21 : vector<2048x64xi32> to vector<2048x64xf32>
    %convert_element_type3A_23 = arith.truncf %convert_element_type3A_22 : vector<2048x64xf32> to vector<2048x64xbf16>
    %dot_general3A_24 = arith.constant dense<0.000000e+00> : vector<2048x64xf32>
    %dot_general3A_25 = tpu.matmul %convert_element_type3A_20, %convert_element_type3A_23, %dot_general3A_24 {dimension_numbers = #tpu.dot_dimension_numbers<[1], [0], [0], [1], [0, 0, 1, 1], [], []>, transpose_lhs_hint = false} : vector<2048x2048xbf16>, vector<2048x64xbf16>, vector<2048x64xf32> -> vector<2048x64xf32>
    %mul3A = arith.mulf %dot_general3A_25, %convert_element_type3A_15 : vector<2048x64xf32>
    %reduce_sum3A_26 = arith.constant dense<0.000000e+00> : vector<2048xf32>
    %reduce_sum3A_27 = vector.multi_reduction <add>, %mul3A, %reduce_sum3A_26 [1] : vector<2048x64xf32> to vector<2048xf32>
    %broadcast_in_dim3A_28 = vector.shape_cast %reduce_sum3A_27 : vector<2048xf32> to vector<2048x1xf32>
    %reduce_sum3A_29 = arith.constant dense<0.000000e+00> : vector<64xf32>
    %reduce_sum3A_30 = vector.multi_reduction <add>, %convert_element_type3A_15, %reduce_sum3A_29 [0] : vector<2048x64xf32> to vector<64xf32>
    %broadcast_in_dim3A_31 = vector.shape_cast %reduce_sum3A_30 : vector<64xf32> to vector<1x64xf32>
    %convert_element_type3A_32 = arith.fptosi %broadcast_in_dim3A_31 : vector<1x64xf32> to vector<1x64xi32>
    %add3A = arith.constant 127 : i32
    %add3A_33 = vector.broadcast %add3A : i32 to vector<1x64xi32>
    %add3A_34 = arith.addi %convert_element_type3A_32, %add3A_33 : vector<1x64xi32>
    %jit3A = arith.constant 128 : i32
    %div3A_35 = vector.broadcast %jit3A : i32 to vector<1x64xi32>
    %div3A_36 = arith.divsi %add3A_34, %div3A_35 : vector<1x64xi32>
    %sign3A = arith.constant 0 : i32
    %sign3A_37 = vector.broadcast %sign3A : i32 to vector<1x64xi32>
    %sign3A_38 = arith.cmpi sgt, %add3A_34, %sign3A_37 : vector<1x64xi32>
    %sign3A_39 = arith.extui %sign3A_38 : vector<1x64xi1> to vector<1x64xi32>
    %sign3A_40 = arith.constant 0 : i32
    %sign3A_41 = vector.broadcast %sign3A_40 : i32 to vector<1x64xi32>
    %sign3A_42 = arith.cmpi slt, %add3A_34, %sign3A_41 : vector<1x64xi32>
    %sign3A_43 = arith.extui %sign3A_42 : vector<1x64xi1> to vector<1x64xi32>
    %sign3A_44 = arith.subi %sign3A_39, %sign3A_43 : vector<1x64xi32>
    %sign3A_45 = arith.constant 0 : i32
    %sign3A_46 = arith.cmpi sgt, %jit3A, %sign3A_45 : i32
    %sign3A_47 = arith.extui %sign3A_46 : i1 to i32
    %sign3A_48 = arith.constant 0 : i32
    %sign3A_49 = arith.cmpi slt, %jit3A, %sign3A_48 : i32
    %sign3A_50 = arith.extui %sign3A_49 : i1 to i32
    %sign3A_51 = arith.subi %sign3A_47, %sign3A_50 : i32
    %ne3A = vector.broadcast %sign3A_51 : i32 to vector<1x64xi32>
    %ne3A_52 = arith.cmpi ne, %sign3A_44, %ne3A : vector<1x64xi32>
    %rem3A = vector.broadcast %jit3A : i32 to vector<1x64xi32>
    %rem3A_53 = arith.remsi %add3A_34, %rem3A : vector<1x64xi32>
    %ne3A_54 = arith.constant 0 : i32
    %ne3A_55 = vector.broadcast %ne3A_54 : i32 to vector<1x64xi32>
    %ne3A_56 = arith.cmpi ne, %rem3A_53, %ne3A_55 : vector<1x64xi32>
    %and3A = arith.andi %ne3A_52, %ne3A_56 : vector<1x64xi1>
    %sub3A_57 = arith.constant 1 : i32
    %sub3A_58 = vector.broadcast %sub3A_57 : i32 to vector<1x64xi32>
    %sub3A_59 = arith.subi %div3A_36, %sub3A_58 : vector<1x64xi32>
    %select_n3A = arith.select %and3A, %sub3A_59, %div3A_36 : vector<1x64xi1>, vector<1x64xi32>
    %iota3A_60 = tpu.iota {dimensions = array<i32: 0>} : vector<64x64xi32>
    %iota3A_61 = tpu.iota {dimensions = array<i32: 1>} : vector<64x64xi32>
    %le3A = arith.cmpi sle, %iota3A_60, %iota3A_61 : vector<64x64xi32>
    %convert_element_type3A_62 = arith.extui %le3A : vector<64x64xi1> to vector<64x64xi32>
    %convert_element_type3A_63 = arith.sitofp %convert_element_type3A_62 : vector<64x64xi32> to vector<64x64xf32>
    %convert_element_type3A_64 = arith.sitofp %select_n3A : vector<1x64xi32> to vector<1x64xf32>
    %dot_general3A_65 = arith.constant dense<0.000000e+00> : vector<1x64xf32>
    %dot_general3A_66 = tpu.matmul %convert_element_type3A_64, %convert_element_type3A_63, %dot_general3A_65 {dimension_numbers = #tpu.dot_dimension_numbers<[1], [0], [0], [1], [0, 0, 1, 1], [], []>, transpose_lhs_hint = false} : vector<1x64xf32>, vector<64x64xf32>, vector<1x64xf32> -> vector<1x64xf32>
    %convert_element_type3A_67 = arith.fptosi %dot_general3A_66 : vector<1x64xf32> to vector<1x64xi32>
    %sub3A_68 = arith.subi %convert_element_type3A_67, %select_n3A : vector<1x64xi32>
    %convert_element_type3A_69 = arith.sitofp %sub3A_68 : vector<1x64xi32> to vector<1x64xf32>
    %mul3A_70 = vector.broadcast %convert_element_type3A_69 : vector<1x64xf32> to vector<2048x64xf32>
    %mul3A_71 = arith.mulf %convert_element_type3A_15, %mul3A_70 : vector<2048x64xf32>
    %reduce_sum3A_72 = arith.constant dense<0.000000e+00> : vector<2048xf32>
    %reduce_sum3A_73 = vector.multi_reduction <add>, %mul3A_71, %reduce_sum3A_72 [1] : vector<2048x64xf32> to vector<2048xf32>
    %broadcast_in_dim3A_74 = vector.shape_cast %reduce_sum3A_73 : vector<2048xf32> to vector<2048x1xf32>
    %mul3A_75 = arith.constant 1.280000e+02 : f32
    %mul3A_76 = vector.broadcast %mul3A_75 : f32 to vector<2048x1xf32>
    %mul3A_77 = arith.mulf %broadcast_in_dim3A_74, %mul3A_76 : vector<2048x1xf32>
    %add3A_78 = arith.addf %mul3A_77, %broadcast_in_dim3A_28 : vector<2048x1xf32>
    %convert_element_type3A_79 = arith.fptosi %add3A_78 : vector<2048x1xf32> to vector<2048x1xi32>
    %swap3A = arith.constant 0 : index
    %swap3A_80 = arith.constant 0 : index
    %swap3A_81 = vector.load %arg2[%swap3A, %swap3A_80] : memref<2048x1xi32, #tpu.memory_space<vmem>>, vector<2048x1xi32>
    tpu.vector_store %arg2[%swap3A, %swap3A_80], %convert_element_type3A_79 {strides = array<i32>} : memref<2048x1xi32, #tpu.memory_space<vmem>>, vector<2048x1xi32>,
    %slice3A = vector.extract_strided_slice %convert_element_type3A_67 {offsets = [0, 63], sizes = [1, 1], strides = [1, 1]} : vector<1x64xi32> to vector<1x1xi32>
    %iota3A_82 = tpu.iota {dimensions = array<i32: 0>} : vector<80x64xi32>
    %broadcast_in_dim3A_83 = vector.shape_cast %convert_element_type3A_67 : vector<1x64xi32> to vector<1x64xi32>
    %broadcast_in_dim3A_84 = vector.broadcast %broadcast_in_dim3A_83 : vector<1x64xi32> to vector<80x64xi32>
    %le3A_85 = arith.cmpi sle, %broadcast_in_dim3A_84, %iota3A_82 : vector<80x64xi32>
    %convert_element_type3A_86 = arith.extui %le3A_85 : vector<80x64xi1> to vector<80x64xi32>
    %reduce_sum3A_87 = arith.constant dense<0> : vector<80xi32>
    %reduce_sum3A_88 = vector.multi_reduction <add>, %convert_element_type3A_86, %reduce_sum3A_87 [1] : vector<80x64xi32> to vector<80xi32>
    %broadcast_in_dim3A_89 = vector.shape_cast %reduce_sum3A_88 : vector<80xi32> to vector<80x1xi32>
    %iota3A_90 = tpu.iota {dimensions = array<i32: 1>} : vector<1x64xi32>
    %gt3A = arith.constant 0 : i32
    %gt3A_91 = vector.broadcast %gt3A : i32 to vector<1x64xi32>
    %gt3A_92 = arith.cmpi sgt, %convert_element_type3A_32, %gt3A_91 : vector<1x64xi32>
    %jit3A_93 = arith.constant 0 : i32
    %broadcast_in_dim3A_94 = vector.broadcast %jit3A_93 : i32 to vector<1x64xi32>
    %select_n3A_95 = arith.select %gt3A_92, %iota3A_90, %broadcast_in_dim3A_94 : vector<1x64xi1>, vector<1x64xi32>
    %reduce_max3A_96 = arith.constant dense<-2147483648> : vector<1xi32>
    %reduce_max3A_97 = vector.multi_reduction <maxsi>, %select_n3A_95, %reduce_max3A_96 [1] : vector<1x64xi32> to vector<1xi32>
    %broadcast_in_dim3A_98 = vector.shape_cast %reduce_max3A_97 : vector<1xi32> to vector<1x1xi32>
    %iota3A_99 = tpu.iota {dimensions = array<i32: 0>} : vector<80x1xi32>
    %lt3A_100 = vector.broadcast %slice3A : vector<1x1xi32> to vector<80x1xi32>
    %lt3A_101 = arith.cmpi slt, %iota3A_99, %lt3A_100 : vector<80x1xi32>
    %broadcast_in_dim3A_102 = vector.shape_cast %broadcast_in_dim3A_98 : vector<1x1xi32> to vector<1x1xi32>
    %broadcast_in_dim3A_103 = vector.broadcast %broadcast_in_dim3A_102 : vector<1x1xi32> to vector<80x1xi32>
    %select_n3A_104 = arith.select %lt3A_101, %broadcast_in_dim3A_89, %broadcast_in_dim3A_103 : vector<80x1xi1>, vector<80x1xi32>
    %swap3A_105 = arith.constant 0 : index
    %swap3A_106 = arith.constant 0 : index
    %swap3A_107 = vector.load %arg3[%swap3A_105, %swap3A_106] : memref<80x1xi32, #tpu.memory_space<vmem>>, vector<80x1xi32>
    tpu.vector_store %arg3[%swap3A_105, %swap3A_106], %select_n3A_104 {strides = array<i32>} : memref<80x1xi32, #tpu.memory_space<vmem>>, vector<80x1xi32>,
    return
  }
}

module attributes {stable_mosaic.version = 14 : i64} {
  func.func @_mlp_body(%arg0: i32, %arg1: memref<80xi32, #tpu.memory_space<smem>>, %arg2: memref<128x1024xf32, #tpu.memory_space<vmem>>, %arg3: memref<1x1024x1024xf32, #tpu.memory_space<vmem>>, %arg4: memref<1x1024x512xf32, #tpu.memory_space<vmem>>, %arg5: memref<128x1024xf32, #tpu.memory_space<vmem>>) attributes {dimension_semantics = [#tpu.dimension_semantics<arbitrary>], iteration_bounds = array<i64: 80>, scalar_prefetch = 1 : i64, scratch_operands = 0 : i64, tpu.core_type = #tpu.core_type<tc>, window_params = [{transform_indices = @transform_0, window_bounds = array<i64: 128, 1024>}, {transform_indices = @transform_1, window_bounds = array<i64: 1, 1024, 1024>}, {transform_indices = @transform_2, window_bounds = array<i64: 1, 1024, 512>}, {transform_indices = @transform_3, window_bounds = array<i64: 128, 1024>}]} {
    %get3A = arith.constant 0 : index
    %get3A_0 = arith.constant 0 : index
    %get3A_1 = vector.load %arg2[%get3A, %get3A_0] : memref<128x1024xf32, #tpu.memory_space<vmem>>, vector<128x1024xf32>
    %convert_element_type3A = arith.truncf %get3A_1 : vector<128x1024xf32> to vector<128x1024xbf16>
    %get3A_2 = arith.constant 0 : index
    %get3A_3 = arith.constant 0 : index
    %get3A_4 = arith.constant 0 : index
    %get3A_5 = vector.load %arg3[%get3A_2, %get3A_3, %get3A_4] : memref<1x1024x1024xf32, #tpu.memory_space<vmem>>, vector<1x1024x1024xf32>
    %get3A_6 = vector.shape_cast %get3A_5 : vector<1x1024x1024xf32> to vector<1024x1024xf32>
    %convert_element_type3A_7 = arith.truncf %get3A_6 : vector<1024x1024xf32> to vector<1024x1024xbf16>
    %dot_general3A = arith.constant dense<0.000000e+00> : vector<128x1024xf32>
    %dot_general3A_8 = tpu.matmul %convert_element_type3A, %convert_element_type3A_7, %dot_general3A {dimension_numbers = #tpu.dot_dimension_numbers<[1], [1], [0], [0], [0, 0, 1, 0], [], []>, transpose_lhs_hint = false} : vector<128x1024xbf16>, vector<1024x1024xbf16>, vector<128x1024xf32> -> vector<128x1024xf32>
    %slice3A = vector.extract_strided_slice %dot_general3A_8 {offsets = [0, 0], sizes = [128, 512], strides = [1, 1]} : vector<128x1024xf32> to vector<128x512xf32>
    %slice3A_9 = vector.extract_strided_slice %dot_general3A_8 {offsets = [0, 512], sizes = [128, 512], strides = [1, 1]} : vector<128x1024xf32> to vector<128x512xf32>
    %logistic3A = arith.negf %slice3A : vector<128x512xf32>
    %logistic3A_10 = math.exp %logistic3A : vector<128x512xf32>
    %logistic3A_11 = arith.constant 1.000000e+00 : f32
    %logistic3A_12 = vector.broadcast %logistic3A_11 : f32 to vector<128x512xf32>
    %logistic3A_13 = arith.addf %logistic3A_12, %logistic3A_10 : vector<128x512xf32>
    %logistic3A_14 = arith.divf %logistic3A_12, %logistic3A_13 : vector<128x512xf32>
    %mul3A = arith.mulf %slice3A, %logistic3A_14 : vector<128x512xf32>
    %mul3A_15 = arith.mulf %mul3A, %slice3A_9 : vector<128x512xf32>
    %convert_element_type3A_16 = arith.truncf %mul3A_15 : vector<128x512xf32> to vector<128x512xbf16>
    %get3A_17 = arith.constant 0 : index
    %get3A_18 = arith.constant 0 : index
    %get3A_19 = arith.constant 0 : index
    %get3A_20 = vector.load %arg4[%get3A_17, %get3A_18, %get3A_19] : memref<1x1024x512xf32, #tpu.memory_space<vmem>>, vector<1x1024x512xf32>
    %get3A_21 = vector.shape_cast %get3A_20 : vector<1x1024x512xf32> to vector<1024x512xf32>
    %convert_element_type3A_22 = arith.truncf %get3A_21 : vector<1024x512xf32> to vector<1024x512xbf16>
    %dot_general3A_23 = arith.constant dense<0.000000e+00> : vector<128x1024xf32>
    %dot_general3A_24 = tpu.matmul %convert_element_type3A_16, %convert_element_type3A_22, %dot_general3A_23 {dimension_numbers = #tpu.dot_dimension_numbers<[1], [1], [0], [0], [0, 0, 1, 0], [], []>, transpose_lhs_hint = false} : vector<128x512xbf16>, vector<1024x512xbf16>, vector<128x1024xf32> -> vector<128x1024xf32>
    %swap3A = arith.constant 0 : index
    %swap3A_25 = arith.constant 0 : index
    %swap3A_26 = vector.load %arg5[%swap3A, %swap3A_25] : memref<128x1024xf32, #tpu.memory_space<vmem>>, vector<128x1024xf32>
    tpu.vector_store %arg5[%swap3A, %swap3A_25], %dot_general3A_24 {strides = array<i32>} : memref<128x1024xf32, #tpu.memory_space<vmem>>, vector<128x1024xf32>,
    return
  }
  func.func @transform_0(%arg0: i32, %arg1: memref<80xi32, #tpu.memory_space<smem>>) -> (i32, i32) {
    %c0_i32 = arith.constant 0 : i32
    %c0_i32_0 = arith.constant 0 : i32
    return %arg0, %c0_i32 : i32, i32
  }
  func.func @transform_1(%arg0: i32, %arg1: memref<80xi32, #tpu.memory_space<smem>>) -> (i32, i32, i32) {
    %get3A = arith.index_cast %arg0 : i32 to index
    %get3A_0 = memref.load %arg1[%get3A] : memref<80xi32, #tpu.memory_space<smem>>
    %c0_i32 = arith.constant 0 : i32
    %c0_i32_1 = arith.constant 0 : i32
    %c0_i32_2 = arith.constant 0 : i32
    return %get3A_0, %c0_i32, %c0_i32_1 : i32, i32, i32
  }
  func.func @transform_2(%arg0: i32, %arg1: memref<80xi32, #tpu.memory_space<smem>>) -> (i32, i32, i32) {
    %get3A = arith.index_cast %arg0 : i32 to index
    %get3A_0 = memref.load %arg1[%get3A] : memref<80xi32, #tpu.memory_space<smem>>
    %c0_i32 = arith.constant 0 : i32
    %c0_i32_1 = arith.constant 0 : i32
    %c0_i32_2 = arith.constant 0 : i32
    return %get3A_0, %c0_i32, %c0_i32_1 : i32, i32, i32
  }
  func.func @transform_3(%arg0: i32, %arg1: memref<80xi32, #tpu.memory_space<smem>>) -> (i32, i32) {
    %c0_i32 = arith.constant 0 : i32
    %c0_i32_0 = arith.constant 0 : i32
    return %arg0, %c0_i32 : i32, i32
  }
}

</mosaic_0001>

<sc_bundles>
// kernel: kernel.6.cloned.1.call-start
scs
__scs_entry_jumppad:
0x0: {  	(pc) =	sbr.rel $0x88, $3  }
0x1: {  	(tag) =	ssettag $0x0;
	lr =	simm.s32 $0x1  }
0x2: {  	[smem:$0x3F9D] =	sst lr;
	_ =	strace $0xD0000000  }
0x3: {  	_ = 	snop  }
0x4: {  	_ = 	snop  }
0x5: {  	_ = 	snop  }
0x6: {  	_ = 	snop  }
0x7: {  	_ = 	snop  }
__scs_overlays_trampoline_lowered:
0x8: {  	[smem:$0x3FAC] =	sst s0  }
0x9: {  	[smem:$0x3FAD] =	sst s1  }
0xa: {  	[smem:$0x3FAE] =	sst s2  }
0xb: {  	[smem:$0x3FAF] =	sst s3  }
0xc: {  	[smem:$0x3FB0] =	sst s4  }
0xd: {  	[smem:$0x3FB1] =	sst s5  }
0xe: {  	[smem:$0x3FB2] =	sst s6  }
0xf: {  	[smem:$0x3FB3] =	sst s7  }
0x10: {  	[smem:$0x3FB4] =	sst s8  }
0x11: {  	[smem:$0x3FB5] =	sst s9;
	s0 =	simm.s32 @!p0 $0x0  }
0x12: {  	s1 =	sld [smem:$0x3F9B];
	s0 =	simm.s32 @p0 $0x1  }
0x13: {  	[smem:$0x3FB6] =	sst s0;
	s0 =	simm.s32 @!p1 $0x0  }
0x14: {  	s2 =	sld [smem:$0x3F9A];
	s0 =	simm.s32 @p1 $0x1  }
0x15: {  	[smem:$0x3FB7] =	sst s0;
	s0 =	simm.s32 @!p2 $0x0  }
0x16: {  	s3 =	sld [smem:$0x3FDB];
	s0 =	simm.s32 @p2 $0x1  }
0x17: {  	s4 =	simm.s32 $0x1BF5;
	[smem:$0x3FB9] =	sst s0  }
0x18: {  	s0 =	sld [smem:$0x3F9C];
	_ =	swait.ge [sflag:s4], $0x0  }
0x19: {  	s7 =	sld [smem:$0x3F9D]  }
0x1a: {  	s8 =	sadd.s32 $0xFFFFE003, lr  }
0x1b: {  	s9 =	sadd.s32 $0xFFFFFEF7, lr;
	s5 =	simm.s32 $0xFFFFFFFF;
	p2 =	slt.u32 s8, $0xFFFFF086  }
0x1c: {  	p1 =	slt.u32 s9, $0xF7A;
	s5 =	simm.s32 @!p2 $0x0  }
0x1d: {  	s5 =	simm.s32 @p1 $0x1;
	p0 =	seq.s32 s7, s2  }
0x1e: {  	s7 =	smul.u32 @!p0 $0xF7A, s2;
	p2 =	seq.s32 @!p0 s5, $0x0  }
0x1f: {  	s9 =	smul.u32 $0xF7A, s1;
	s8 =	simm.s32 @!p0 $0x1BF5;
	p2 =	por !p2, p0  }
0x20: {  	[sflag:s8] =	ssyncset.s32 @!p0 $0xFFFFF086;
	s6 =	sadd.s32 @!p0 s3, s7;
	s7 =	simm.s32 @!p0 $0x108  }
0x21: {  	s3 =	sadd.s32 s3, s9;
	s6 =	sadd.s32 @!p0 $0x88, s6;
	s7 =	simm.s32 @p2 $0x1082  }
0x22: {  	[simem:s7], [sflag:s8] =	dma.local @!p0 [hbm:s6], $0xF7A  }
0x23: {  	s9 =	sor.u32 $0xD0000000, s2;
	s6 =	simm.s32 $0x108;
	_ =	swait.ge @!p0 [sflag:s8], $0x0  }
0x24: {  	s3 =	sadd.s32 $0x88, s3;
	s6 =	simm.s32 @!p1 $0x1082;
	[sflag:s4] =	ssyncset.s32 $0xFFFFF086  }
0x25: {  	[simem:s6], [sflag:s4] =	dma.local [hbm:s3], $0xF7A  }
0x26: {  	[smem:$0x3F9D] =	sst s1;
	(tag) =	ssettag s2;
	_ =	strace s9  }
0x27: {  	s1 =	sld [smem:$0x3FAD]  }
0x28: {  	s2 =	sld [smem:$0x3FAE]  }
0x29: {  	s4 =	sld [smem:$0x3FB0]  }
0x2a: {  	p0 =	seq.s32 s5, $0x0;
	s5 =	sld [smem:$0x3FB1]  }
0x2b: {  	s6 =	sld [smem:$0x3FB2]  }
0x2c: {  	s7 =	sld [smem:$0x3FB3]  }
0x2d: {  	s3 =	simm.s32 $0x108;
	s8 =	sld [smem:$0x3FB4]  }
0x2e: {  	s3 =	simm.s32 @!p0 $0x1082;
	s9 =	sld [smem:$0x3FB5]  }
0x2f: {  	lr =	sadd.s32 s0, s3;
	s0 =	sld [smem:$0x3FAC]  }
0x30: {  	s3 =	sld [smem:$0x3FAF]  }
0x31: {  	[smem:$0x3FB8] =	sst s10  }
0x32: {  	s10 =	sld [smem:$0x3FB6];
	_ =	sdelay $0x3  }
0x33: {  	p0 =	seq.s32 s10, $0x1;
	s10 =	sld [smem:$0x3FB8];
	_ =	sdelay $0x3  }
0x34: {  	[smem:$0x3FB8] =	sst s10  }
0x35: {  	s10 =	sld [smem:$0x3FB7];
	_ =	sdelay $0x3  }
0x36: {  	p1 =	seq.s32 s10, $0x1;
	s10 =	sld [smem:$0x3FB8];
	_ =	sdelay $0x3  }
0x37: {  	[smem:$0x3FB8] =	sst s10  }
0x38: {  	s10 =	sld [smem:$0x3FB9]  }
0x39: {  	_ = 	snop;
	(pc) =	sbr.ind lr, $3  }
0x3a: {  	_ = 	snop  }
0x3b: {  	_ = 	snop  }
0x3c: {  	p2 =	seq.s32 s10, $0x1;
	s10 =	sld [smem:$0x3FB8]  }
0x3d: {  	_ =	shalt  }
0x3e: {  	_ =	shalt  }
0x3f: {  	_ =	shalt  }
0x40: {  	_ =	shalt  }
0x41: {  	_ =	shalt  }
0x42: {  	_ =	shalt  }
0x43: {  	_ =	shalt  }
0x44: {  	_ =	shalt  }
0x45: {  	_ =	shalt  }
0x46: {  	_ =	shalt  }
0x47: {  	_ =	shalt  }
0x48: {  	_ =	shalt  }
0x49: {  	_ =	shalt  }
0x4a: {  	_ =	shalt  }
0x4b: {  	_ =	shalt  }
0x4c: {  	_ =	shalt  }
0x4d: {  	_ =	shalt  }
0x4e: {  	_ =	shalt  }
0x4f: {  	_ =	shalt  }
0x50: {  	_ =	shalt  }
0x51: {  	_ =	shalt  }
0x52: {  	_ =	shalt  }
0x53: {  	_ =	shalt  }
0x54: {  	_ =	shalt  }
0x55: {  	_ =	shalt  }
0x56: {  	_ =	shalt  }
0x57: {  	_ =	shalt  }
0x58: {  	_ =	shalt  }
0x59: {  	_ =	shalt  }
0x5a: {  	_ =	shalt  }
0x5b: {  	_ =	shalt  }
0x5c: {  	_ =	shalt  }
0x5d: {  	_ =	shalt  }
0x5e: {  	_ =	shalt  }
0x5f: {  	_ =	shalt  }
0x60: {  	_ =	shalt  }
0x61: {  	_ =	shalt  }
0x62: {  	_ =	shalt  }
0x63: {  	_ =	shalt  }
0x64: {  	_ =	shalt  }
0x65: {  	_ =	shalt  }
0x66: {  	_ =	shalt  }
0x67: {  	_ =	shalt  }
0x68: {  	_ =	shalt  }
0x69: {  	_ =	shalt  }
0x6a: {  	_ =	shalt  }
0x6b: {  	_ =	shalt  }
0x6c: {  	_ =	shalt  }
0x6d: {  	_ =	shalt  }
0x6e: {  	_ =	shalt  }
0x6f: {  	_ =	shalt  }
0x70: {  	_ =	shalt  }
0x71: {  	_ =	shalt  }
0x72: {  	_ =	shalt  }
0x73: {  	_ =	shalt  }
0x74: {  	_ =	shalt  }
0x75: {  	_ =	shalt  }
0x76: {  	_ =	shalt  }
0x77: {  	_ =	shalt  }
0x78: {  	_ =	shalt  }
0x79: {  	_ =	shalt  }
0x7a: {  	_ =	shalt  }
0x7b: {  	_ =	shalt  }
0x7c: {  	_ =	shalt  }
0x7d: {  	_ =	shalt  }
0x7e: {  	_ =	shalt  }
0x7f: {  	_ =	shalt  }
0x80: {  	_ =	shalt  }
0x81: {  	_ =	shalt  }
0x82: {  	_ =	shalt  }
0x83: {  	_ =	shalt  }
0x84: {  	_ =	shalt  }
0x85: {  	_ =	shalt  }
0x86: {  	_ =	shalt  }
0x87: {  	_ =	shalt  }
.Lfunc_end0:
.L_simem_size_0:
called_computation_lowered:
.L_overlay_start_0:
0x88: {  	s2 =	sld [smem:$0x3FD9]  }
0x89: {  	s3 =	sld [smem:$0x3FFE];
	_ =	sdelay $0x1  }
0x8a: {  	s1 =	srdreg.scid  }
0x8b: {  	s0 =	sand.u32 $0x1, s1  }
0x8c: {  	s17 =	sshll.u32 s0, $0xA;
	s2 =	sadd.s32 s3, s2  }
0x8d: {  	s2 =	sadd.s32 s2, s17  }
0x8e: {  	[smem:$0x3FC4] =	sst s2  }
0x8f: {  	_ = 	snop  }
0x90: {  	s2 =	sld [smem:$0x3FC9];
	(tm) =	ssettm $0x1  }
0x91: {  	s18 =	sld [smem:$0x3FFB];
	_ =	sdelay $0x3  }
0x92: {  	_ =	strace s18  }
0x93: {  	s3 =	sld [smem:$0x3FFC];
	_ =	sdelay $0x3  }
0x94: {  	_ =	strace s3  }
0x95: {  	s3 =	sld [smem:$0x3FFD];
	_ =	sdelay $0x3  }
0x96: {  	_ =	strace s3  }
0x97: {  	_ =	strace $0x8FFFFFFF  }
0x98: {  	s19 =	sld [smem:$0x3FDB];
	_ =	sdelay $0x1  }
0x99: {  	s4 =	simm.s32 $_scs_section_size  }
0x9a: {  	s5 =	simm.s32 $_size__tile_overlayer_lowered;
	s6 =	simm.s32 $_tile_overlayer_lowered  }
0x9b: {  	s22 =	simm.s32 $0x1BFF;
	s21 =	sshll.u32 s6, $0x1;
	s3 =	sadd.s32 s4, s19  }
0x9c: {  	s7 =	simm.s32 $0x0;
	s20 =	sshll.u32 s5, $0x1;
	s5 =	sadd.s32 s21, s3  }
0x9d: {  	[timem:s7], [sflag:s22] =	dma.local [hbm:s5], s20  }
0x9e: {  	_ =	swait.ge [sflag:s22], s20  }
0x9f: {  	s4 =	ssub.s32 $0x0, s20;
	[sflag:s22] =	ssyncset.done $0x0  }
0xa0: {  	[sflag:s22] =	ssyncadd.s32 s4;
	_ =	sdelay $0x1  }
0xa1: {  	s23 =	simm.s32 $0x1B8B  }
0xa2: {  	_ =	swait.ge [sflag:s23], $0x1  }
0xa3: {  	[sflag:s23] =	ssyncset.done $0x0  }
0xa4: {  	s25 =	simm.s32 $0x1B8E;
	s24 =	sld [smem:$0x3FFE];
	[sflag:s23] =	ssyncadd.s32 $0xFFFFFFFF  }
0xa5: {  	s26 =	simm.s32 $execute0_lowered;
	[smem:$0x3FD2] =	sst s25  }
0xa6: {  	s5 =	sshll.u32 s26, $0x1;
	_ =	strace $0x80000046;
	[dreg:$0x1] =	wrdreg $0xFFFFFFFF  }
0xa7: {  	s28 =	simm.s32 $_size_execute0_lowered;
	s3 =	sadd.s32 s3, s5;
	[dreg:$0x0] =	wrdreg $0x0  }
0xa8: {  	s5 =	sshll.u32 s28, $0x1;
	[dreg:$0x2] =	wrdreg s3  }
0xa9: {  	[dreg:$0x3] =	wrdreg s5  }
0xaa: {  	[dreg:$0x4] =	wrdreg $0xC0  }
0xab: {  	_ =	task [dreg:s7], $0x5FFFF  }
0xac: {  	[dreg:$0x1] =	wrdreg $0xFFFFFFFF  }
0xad: {  	[dreg:$0x0] =	wrdreg $0x60  }
0xae: {  	[dreg:$0x2] =	wrdreg s2  }
0xaf: {  	[dreg:$0x3] =	wrdreg s24  }
0xb0: {  	[dreg:$0x4] =	wrdreg $0x9  }
0xb1: {  	_ =	task.clear_ibuf [dreg:s7], $0x5FFFF;
	_ =	strace $0x90000046  }
0xb2: {  	s29 =	simm.s32 $0x9;
	_ =	strace $0x8000004E  }
0xb3: {  	_ =	swait.ge [sflag:s29], $0x1  }
0xb4: {  	[sflag:s29] =	ssyncadd.s32 $0xFFFFFFFF  }
0xb5: {  	_ =	strace $0x9000004E  }
0xb6: {  	_ =	sfence  }
0xb7: {  	s30 =	sld [smem:$0x0];
	_ =	sdelay $0x2  }
0xb8: {  	s31 =	sshll.u32 s1, $0xD;
	s1 =	sshrl.u32 s1, $0x2  }
0xb9: {  	s3 =	sand.u32 $0x4000, s31;
	s1 =	sadd.s32 s1, s30  }
0xba: {  	s0 =	sor.u32 s3, s0;
	s1 =	sshll.u32 s1, $0x11  }
0xbb: {  	s0 =	sor.u32 s1, s0  }
0xbc: {  	s0 =	sadd.s32 $0x8F2B, s0  }
0xbd: {  	[sflag:s0] =	ssyncadd.remote.s32 $0x1  }
0xbe: {  	_ =	sfence.sel $0xFFFF  }
0xbf: {  	[dreg:$0x0] =	wrdreg $0xFFFFFFFF;
	(pc) =	sbr.abs _section_cstart, $3  }
0xc0: {  	[dreg:$0x1] =	wrdreg $0xFFFFFFFF  }
0xc1: {  	_ =	task.clear_ibuf [dreg:s7], $0x2FFFF;
	_ =	strace $0x9FFFFFFF  }
0xc2: {  	(tm) =	ssettm $0x7FFFFFFF  }
0xc3: {  	_ =	shalt  }
tec
execute0_lowered:
.L_overlay_start_1:
0x0: {  	(tag) =	ssettag $0x1  }
0x1: {  	s0 =	rddreg [dreg:$0x0]  }
0x2: {  	s6 =	rddreg [dreg:$0x1];
	s2 =	simm.s32 $0x0  }
0x3: {  	s11 =	simm.s32 $0x10000;
	[smem:$0x7FF] =	sst s2  }
0x4: {  	s12 =	simm.s32 $0x10080;
	_ =	strace $0x80000047;
	[dreg:$0x7] =	wrdreg s11  }
0x5: {  	s13 =	simm.s32 $0x800;
	[dreg:$0x8] =	wrdreg s12  }
0x6: {  	s14 =	simm.s32 $0x1000;
	[dreg:$0x9] =	wrdreg s13  }
0x7: {  	s15 =	simm.s32 $0x1800;
	[dreg:$0xa] =	wrdreg s14  }
0x8: {  	s16 =	simm.s32 $0x2000;
	[dreg:$0xb] =	wrdreg s15  }
0x9: {  	s1 =	srdreg.scid;
	s17 =	simm.s32 $0x2800;
	[dreg:$0xc] =	wrdreg s16  }
0xa: {  	s7 =	stileid.u32;
	s19 =	simm.s32 $0x3000;
	[dreg:$0xd] =	wrdreg s17  }
0xb: {  	s21 =	simm.s32 $0x3800;
	s22 =	simm.s32 $0x4000;
	[dreg:$0xe] =	wrdreg s19  }
0xc: {  	s23 =	simm.s32 $0x4800;
	s24 =	simm.s32 $0x5000;
	[dreg:$0xf] =	wrdreg s21  }
0xd: {  	s25 =	simm.s32 $0x5800;
	s26 =	simm.s32 $0x6000;
	[dreg:$0x10] =	wrdreg s22  }
0xe: {  	s28 =	simm.s32 $0xD800;
	s29 =	simm.s32 $0xE000;
	[dreg:$0x11] =	wrdreg s23  }
0xf: {  	s30 =	simm.s32 $0xE800;
	s4 =	sand.u32 $0x1, s1;
	[dreg:$0x12] =	wrdreg s24  }
0x10: {  	s31 =	simm.s32 $0xF000;
	s3 =	sshll.u32 s4, $0x4;
	[dreg:$0x13] =	wrdreg s25  }
0x11: {  	s4 =	ssub.s32 $0x2, s4;
	[dreg:$0x14] =	wrdreg s26;
	s13 =	simm.s32 $0x7800  }
0x12: {  	s14 =	simm.s32 $0x5;
	s15 =	simm.s32 $0x2;
	s16 =	simm.s32 $0x4  }
0x13: {  	s17 =	simm.s32 $0x8800;
	s19 =	simm.s32 $0x9800;
	s21 =	simm.s32 $0xA800  }
0x14: {  	s22 =	simm.s32 $0xB000;
	s23 =	simm.s32 $0xB800;
	s24 =	simm.s32 $0xC000  }
0x15: {  	s25 =	simm.s32 $0xC800;
	s26 =	simm.s32 $0xD000;
	s3 =	sor.u32 s7, s3  }
0x16: {  	s7 =	sshll.u32 s7, $0x5;
	s18 =	sshrl.u32 s4, $0x1;
	s5 =	sshll.u32 s3, $0xD  }
0x17: {  	s8 =	sshll.u32 s3, $0x5;
	s7 =	sand.u32 $0x60, s7;
	s3 =	sshllo.u32 s3, $0x1  }
0x18: {  	s20 =	ssub.s32 s4, s18;
	s4 =	sadd.s32 $0x500, s6;
	s18 =	simm.s32 $0x9000  }
0x19: {  	s5 =	sadd.s32 s0, s5;
	s8 =	sand.u32 $0x380, s8;
	s7 =	sadd.s32 s6, s7  }
0x1a: {  	s9 =	sshll.u32 s3, $0xC;
	s3 =	sshll.u32 s3, $0x4;
	[dreg:$0x3] =	wrdreg s5  }
0x1b: {  	s8 =	sadd.s32 s8, s7;
	s0 =	sadd.s32 s0, s9;
	s10 =	sadd.s32 s6, s3  }
0x1c: {  	s3 =	sadd.s32 $0x400, s6;
	s5 =	sadd.s32 $0x600, s6;
	[dreg:$0x4] =	wrdreg s8  }
0x1d: {  	v2 =	vlaneseq.u32;
	s6 =	sadd.s32 $0x700, s6;
	s7 =	smax.u32 s20, $0x1;
	[dreg:$0x5] =	wrdreg s0  }
0x1e: {  	vm0 =	vmmov $0xffff;
	v1 =	vshrl.u32 v2, $0x3;
	s9 =	simm.s32 $0x1;
	s20 =	simm.s32 $0xA000;
	[dreg:$0x6] =	wrdreg s10  }
0x1f: {  	v0 =	vand.u32 $0x7, v2;
	v2 =	vor.u32 $0x8, v2;
	v1 =	vmul.u32 $0x8, v1;
	s8 =	simm.s32 $0x8000;
	s10 =	simm.s32 $0x3;
	s0 =	simm.s32 $0xF800  }
.LBB2_1:
0x20: {  	_ =	strace $0x80000048  }
0x21: {  	s1 =	rddreg [dreg:$0x3]  }
0x22: {  	s11 =	rddreg [dreg:$0x4]  }
0x23: {  	[tilespmem:s2], [sflag:$0x1] =	stream.linear.gather [hbm4b:s1+s2], $0x8000, $0x200038;
	[tilespmem:$0x10100] =	vst v63  }
0x24: {  	s12 =	rddreg [dreg:$0x7]  }
0x25: {  	[tilespmem:s12], [sflag:$0x3] =	stream.linear.gather [hbm4b:s11+s2], $0x80, $0x200038;
	[tilespmem:$0x10100] =	vst v63  }
0x26: {  	_ =	strace $0x90000048  }
0x27: {  	_ =	strace $0x80000049  }
0x28: {  	s12 =	rddreg [dreg:$0x5]  }
0x29: {  	[tilespmem:s8], [sflag:$0x2] =	stream.linear.gather [hbm4b:s12+s2], $0x8000, $0x200038;
	[tilespmem:$0x10100] =	vst v63  }
0x2a: {  	_ =	strace $0x90000049  }
0x2b: {  	_ =	strace $0x8000004A  }
0x2c: {  	s11 =	rddreg [dreg:$0x6]  }
0x2d: {  	s12 =	rddreg [dreg:$0x8]  }
0x2e: {  	[tilespmem:s12], [sflag:$0x4] =	stream.linear.gather [hbm4b:s11+s2], $0x80, $0x200038;
	[tilespmem:$0x10100] =	vst v63  }
0x2f: {  	_ =	strace $0x9000004A  }
0x30: {  	_ =	strace $0x8000004B  }
0x31: {  	_ =	swait.ge [sflag:s9], $0x8000  }
0x32: {  	[sflag:s9] =	ssyncset.done $0x0  }
0x33: {  	[sflag:s9] =	ssyncadd.s32 $0xFFFF8000  }
0x34: {  	_ =	strace $0x9000004B  }
0x35: {  	_ =	strace $0x8000004C  }
0x36: {  	_ =	swait.ge [sflag:s10], $0x80  }
0x37: {  	[sflag:s10] =	ssyncset.done $0x0  }
0x38: {  	[sflag:s10] =	ssyncadd.s32 $0xFFFFFF80  }
0x39: {  	_ =	strace $0x9000004C  }
0x3a: {  	_ =	strace $0x8000004D  }
0x3b: {  	v3 =	vld [tilespmem:$0x10000];
	_ =	sdelay $0x4  }
0x3c: {  	v4 =	vshll.u32 v3, $0x3  }
0x3d: {  	v3 =	vand.u32 $0x7, v3;
	v4 =	vand.u32 $0xFFFFFFC0, v4  }
0x3e: {  	v3 =	vor.u32 v3, v4  }
0x3f: {  	v4 =	vperm.xlane v3, v0;
	_ =	sdelay $0x1  }
0x40: {  	v4 =	vadd.s32 v1, v4;
	_ =	sdelay $0x4  }
0x41: {  	[hbm4b:s3+s2] =	stream.indirect_vreg.scatter [tilespmem:s2], [sflag:$0x5], $0x80, v4, vm0, $0x2000b8;
	[tilespmem:$0x10100] =	vst v63  }
0x42: {  	s12 =	rddreg [dreg:$0x9];
	v3 =	vperm.xlane v3, v2  }
0x43: {  	[hbm4b:s4+s2] =	stream.indirect_vreg.scatter [tilespmem:s12], [sflag:$0x5], $0x80, v4, vm0, $0x2000b8;
	[tilespmem:$0x10100] =	vst v63  }
0x44: {  	s11 =	rddreg [dreg:$0xa];
	v3 =	vadd.s32 v1, v3  }
0x45: {  	[hbm4b:s5+s2] =	stream.indirect_vreg.scatter [tilespmem:s11], [sflag:$0x5], $0x80, v4, vm0, $0x2000b8;
	[tilespmem:$0x10100] =	vst v63  }
0x46: {  	s12 =	rddreg [dreg:$0xb]  }
0x47: {  	[hbm4b:s6+s2] =	stream.indirect_vreg.scatter [tilespmem:s12], [sflag:$0x5], $0x80, v4, vm0, $0x2000b8;
	[tilespmem:$0x10100] =	vst v63  }
0x48: {  	s11 =	rddreg [dreg:$0xc]  }
0x49: {  	[hbm4b:s3+s2] =	stream.indirect_vreg.scatter [tilespmem:s11], [sflag:$0x5], $0x80, v3, vm0, $0x2000b8;
	[tilespmem:$0x10100] =	vst v63  }
0x4a: {  	s12 =	rddreg [dreg:$0xd]  }
0x4b: {  	[hbm4b:s4+s2] =	stream.indirect_vreg.scatter [tilespmem:s12], [sflag:$0x5], $0x80, v3, vm0, $0x2000b8;
	[tilespmem:$0x10100] =	vst v63  }
0x4c: {  	s11 =	rddreg [dreg:$0xe]  }
0x4d: {  	[hbm4b:s5+s2] =	stream.indirect_vreg.scatter [tilespmem:s11], [sflag:$0x5], $0x80, v3, vm0, $0x2000b8;
	[tilespmem:$0x10100] =	vst v63  }
0x4e: {  	s12 =	rddreg [dreg:$0xf]  }
0x4f: {  	[hbm4b:s6+s2] =	stream.indirect_vreg.scatter [tilespmem:s12], [sflag:$0x5], $0x80, v3, vm0, $0x2000b8;
	[tilespmem:$0x10100] =	vst v63  }
0x50: {  	v3 =	vld [tilespmem:$0x10010];
	_ =	sdelay $0x4  }
0x51: {  	v61 =	vshll.u32 v3, $0x3  }
0x52: {  	v3 =	vand.u32 $0x7, v3;
	v4 =	vand.u32 $0xFFFFFFC0, v61  }
0x53: {  	v3 =	vor.u32 v3, v4  }
0x54: {  	v4 =	vperm.xlane v3, v0;
	_ =	sdelay $0x1  }
0x55: {  	v4 =	vadd.s32 v1, v4;
	_ =	sdelay $0x3  }
0x56: {  	s12 =	rddreg [dreg:$0x10]  }
0x57: {  	[hbm4b:s3+s2] =	stream.indirect_vreg.scatter [tilespmem:s12], [sflag:$0x5], $0x80, v4, vm0, $0x2000b8;
	[tilespmem:$0x10100] =	vst v63  }
0x58: {  	s11 =	rddreg [dreg:$0x11];
	v3 =	vperm.xlane v3, v2  }
0x59: {  	[hbm4b:s4+s2] =	stream.indirect_vreg.scatter [tilespmem:s11], [sflag:$0x5], $0x80, v4, vm0, $0x2000b8;
	[tilespmem:$0x10100] =	vst v63  }
0x5a: {  	v3 =	vadd.s32 v1, v3;
	s12 =	rddreg [dreg:$0x12]  }
0x5b: {  	[hbm4b:s5+s2] =	stream.indirect_vreg.scatter [tilespmem:s12], [sflag:$0x5], $0x80, v4, vm0, $0x2000b8;
	[tilespmem:$0x10100] =	vst v63  }
0x5c: {  	s11 =	rddreg [dreg:$0x13]  }
0x5d: {  	[hbm4b:s6+s2] =	stream.indirect_vreg.scatter [tilespmem:s11], [sflag:$0x5], $0x80, v4, vm0, $0x2000b8;
	[tilespmem:$0x10100] =	vst v63  }
0x5e: {  	s12 =	rddreg [dreg:$0x14]  }
0x5f: {  	[hbm4b:s3+s2] =	stream.indirect_vreg.scatter [tilespmem:s12], [sflag:$0x5], $0x80, v3, vm0, $0x2000b8;
	[tilespmem:$0x10100] =	vst v63  }
0x60: {  	s11 =	simm.s32 $0x6800  }
0x61: {  	[hbm4b:s4+s2] =	stream.indirect_vreg.scatter [tilespmem:s11], [sflag:$0x5], $0x80, v3, vm0, $0x2000b8;
	[tilespmem:$0x10100] =	vst v63  }
0x62: {  	s12 =	simm.s32 $0x7000  }
0x63: {  	[hbm4b:s5+s2] =	stream.indirect_vreg.scatter [tilespmem:s12], [sflag:$0x5], $0x80, v3, vm0, $0x2000b8;
	[tilespmem:$0x10100] =	vst v63  }
0x64: {  	_ = 	snop  }
0x65: {  	[hbm4b:s6+s2] =	stream.indirect_vreg.scatter [tilespmem:s13], [sflag:$0x5], $0x80, v3, vm0, $0x2000b8;
	[tilespmem:$0x10100] =	vst v63  }
0x66: {  	_ =	swait.ge [sflag:s14], $0x8000  }
0x67: {  	[sflag:s14] =	ssyncset.done $0x0  }
0x68: {  	[sflag:s14] =	ssyncadd.s32 $0xFFFF8000  }
0x69: {  	_ =	strace $0x9000004D  }
0x6a: {  	_ =	strace $0x8000004B  }
0x6b: {  	_ =	swait.ge [sflag:s15], $0x8000  }
0x6c: {  	[sflag:s15] =	ssyncset.done $0x0  }
0x6d: {  	[sflag:s15] =	ssyncadd.s32 $0xFFFF8000  }
0x6e: {  	_ =	strace $0x9000004B  }
0x6f: {  	_ =	strace $0x8000004C  }
0x70: {  	_ =	swait.ge [sflag:s16], $0x80  }
0x71: {  	[sflag:s16] =	ssyncset.done $0x0  }
0x72: {  	[sflag:s16] =	ssyncadd.s32 $0xFFFFFF80  }
0x73: {  	_ =	strace $0x9000004C  }
0x74: {  	_ =	strace $0x8000004D  }
0x75: {  	v3 =	vld [tilespmem:$0x10080];
	_ =	sdelay $0x4  }
0x76: {  	v62 =	vshll.u32 v3, $0x3  }
0x77: {  	v3 =	vand.u32 $0x7, v3;
	v4 =	vand.u32 $0xFFFFFFC0, v62  }
0x78: {  	v3 =	vor.u32 v3, v4  }
0x79: {  	v4 =	vperm.xlane v3, v0;
	_ =	sdelay $0x1  }
0x7a: {  	v4 =	vadd.s32 v1, v4;
	_ =	sdelay $0x4  }
0x7b: {  	[hbm4b:s3+s2] =	stream.indirect_vreg.scatter [tilespmem:s8], [sflag:$0x5], $0x80, v4, vm0, $0x2000b8;
	[tilespmem:$0x10100] =	vst v63  }
0x7c: {  	v3 =	vperm.xlane v3, v2  }
0x7d: {  	[hbm4b:s4+s2] =	stream.indirect_vreg.scatter [tilespmem:s17], [sflag:$0x5], $0x80, v4, vm0, $0x2000b8;
	[tilespmem:$0x10100] =	vst v63  }
0x7e: {  	v3 =	vadd.s32 v1, v3  }
0x7f: {  	[hbm4b:s5+s2] =	stream.indirect_vreg.scatter [tilespmem:s18], [sflag:$0x5], $0x80, v4, vm0, $0x2000b8;
	[tilespmem:$0x10100] =	vst v63  }
0x80: {  	_ = 	snop  }
0x81: {  	[hbm4b:s6+s2] =	stream.indirect_vreg.scatter [tilespmem:s19], [sflag:$0x5], $0x80, v4, vm0, $0x2000b8;
	[tilespmem:$0x10100] =	vst v63  }
0x82: {  	_ = 	snop  }
0x83: {  	[hbm4b:s3+s2] =	stream.indirect_vreg.scatter [tilespmem:s20], [sflag:$0x5], $0x80, v3, vm0, $0x2000b8;
	[tilespmem:$0x10100] =	vst v63  }
0x84: {  	_ = 	snop  }
0x85: {  	[hbm4b:s4+s2] =	stream.indirect_vreg.scatter [tilespmem:s21], [sflag:$0x5], $0x80, v3, vm0, $0x2000b8;
	[tilespmem:$0x10100] =	vst v63  }
0x86: {  	_ = 	snop  }
0x87: {  	[hbm4b:s5+s2] =	stream.indirect_vreg.scatter [tilespmem:s22], [sflag:$0x5], $0x80, v3, vm0, $0x2000b8;
	[tilespmem:$0x10100] =	vst v63  }
0x88: {  	_ = 	snop  }
0x89: {  	[hbm4b:s6+s2] =	stream.indirect_vreg.scatter [tilespmem:s23], [sflag:$0x5], $0x80, v3, vm0, $0x2000b8;
	[tilespmem:$0x10100] =	vst v63  }
0x8a: {  	v3 =	vld [tilespmem:$0x10090];
	_ =	sdelay $0x4  }
0x8b: {  	v63 =	vshll.u32 v3, $0x3  }
0x8c: {  	v3 =	vand.u32 $0x7, v3;
	v4 =	vand.u32 $0xFFFFFFC0, v63  }
0x8d: {  	v3 =	vor.u32 v3, v4  }
0x8e: {  	v4 =	vperm.xlane v3, v0;
	_ =	sdelay $0x1  }
0x8f: {  	v4 =	vadd.s32 v1, v4;
	_ =	sdelay $0x4  }
0x90: {  	[hbm4b:s3+s2] =	stream.indirect_vreg.scatter [tilespmem:s24], [sflag:$0x5], $0x80, v4, vm0, $0x2000b8;
	[tilespmem:$0x10100] =	vst v63  }
0x91: {  	v3 =	vperm.xlane v3, v2  }
0x92: {  	[hbm4b:s4+s2] =	stream.indirect_vreg.scatter [tilespmem:s25], [sflag:$0x5], $0x80, v4, vm0, $0x2000b8;
	[tilespmem:$0x10100] =	vst v63  }
0x93: {  	v3 =	vadd.s32 v1, v3  }
0x94: {  	[hbm4b:s5+s2] =	stream.indirect_vreg.scatter [tilespmem:s26], [sflag:$0x5], $0x80, v4, vm0, $0x2000b8;
	[tilespmem:$0x10100] =	vst v63  }
0x95: {  	_ = 	snop  }
0x96: {  	[hbm4b:s6+s2] =	stream.indirect_vreg.scatter [tilespmem:s28], [sflag:$0x5], $0x80, v4, vm0, $0x2000b8;
	[tilespmem:$0x10100] =	vst v63  }
0x97: {  	_ = 	snop  }
0x98: {  	[hbm4b:s3+s2] =	stream.indirect_vreg.scatter [tilespmem:s29], [sflag:$0x5], $0x80, v3, vm0, $0x2000b8;
	[tilespmem:$0x10100] =	vst v63  }
0x99: {  	_ = 	snop  }
0x9a: {  	[hbm4b:s4+s2] =	stream.indirect_vreg.scatter [tilespmem:s30], [sflag:$0x5], $0x80, v3, vm0, $0x2000b8;
	[tilespmem:$0x10100] =	vst v63  }
0x9b: {  	_ = 	snop  }
0x9c: {  	[hbm4b:s5+s2] =	stream.indirect_vreg.scatter [tilespmem:s31], [sflag:$0x5], $0x80, v3, vm0, $0x2000b8;
	[tilespmem:$0x10100] =	vst v63  }
0x9d: {  	p0 =	sne.s32 s7, $0x1  }
0x9e: {  	[hbm4b:s6+s2] =	stream.indirect_vreg.scatter [tilespmem:s0], [sflag:$0x5], $0x80, v3, vm0, $0x2000b8;
	[tilespmem:$0x10100] =	vst v63  }
.Ltmp0:
0x9f: {  	_ = 	snop;
	(pc) =	sbr.rel @p0 .LBB2_1-.Ltmp0, $4  }
0xa0: {  	_ =	swait.ge [sflag:s14], $0x8000  }
0xa1: {  	[sflag:s14] =	ssyncset.done $0x0  }
0xa2: {  	[sflag:s14] =	ssyncadd.s32 $0xFFFF8000  }
0xa3: {  	s7 =	sadd.s32 $0xFFFFFFFF, s7;
	_ =	strace $0x9000004D  }
0xa4: {  	_ =	sfence.sel $0x180000  }
0xa5: {  	[bflag:$0x0] =	sbarrier.arrive $0xFFFF  }
0xa6: {  	_ =	strace $0x90000047  }
0xa7: {  	s0 =	stileid.u32;
	[bflag:$0x2] =	sbarrier.arrive $0xFFFF  }
0xa8: {  	p0 =	sne.s32 s0, $0x0;
	s0 =	rddreg [dreg:$0x2]  }
0xa9: {  	s0 =	sadd.s32 @!p0 $0x100000, s0  }
0xaa: {  	[sflag:s0] =	ssyncadd.tile.s32 @!p0 $0x1;
	_ =	shalt  }
.Lfunc_end2:
_tile_overlayer_lowered:
.L_overlay_start_2:
0xab: {  	(tag) =	ssettag $0x2  }
0xac: {  	s0 =	rddreg [dreg:$0x0];
	s2 =	stileid.u32  }
0xad: {  	s1 =	rddreg [dreg:$0x1];
	p0 =	sne.s32 s2, $0x0  }
0xae: {  	s3 =	rddreg [dreg:$0x2];
	[bflag:$0x3] =	sbarrier.arrive $0xFFFF;
	s2 =	simm.s32 @!p0 $0x1C01  }
0xaf: {  	[timem:s3], [sflag:s2] =	dma.local @!p0 [hbm:s0], s1  }
0xb0: {  	s0 =	simm.s32 @!p0 $0x1  }
0xb1: {  	_ =	swait.ge @!p0 [sflag:s0], s1  }
0xb2: {  	s1 =	ssub.s32 @!p0 $0x0, s1;
	[sflag:s0] =	ssyncset.done @!p0 $0x0  }
0xb3: {  	[sflag:s0] =	ssyncadd.s32 @!p0 s1  }
0xb4: {  	[bflag:$0x3] =	sbarrier.arrive $0xFFFF  }
0xb5: {  	_ =	shalt  }

// kernel: kernel.9.cloned.1.call-start
scs
__scs_entry_jumppad:
0x0: {  	(pc) =	sbr.rel $0x88, $3  }
0x1: {  	(tag) =	ssettag $0x0;
	lr =	simm.s32 $0x1  }
0x2: {  	[smem:$0x3F9D] =	sst lr;
	_ =	strace $0xD0000000  }
0x3: {  	_ = 	snop  }
0x4: {  	_ = 	snop  }
0x5: {  	_ = 	snop  }
0x6: {  	_ = 	snop  }
0x7: {  	_ = 	snop  }
__scs_overlays_trampoline_lowered:
0x8: {  	[smem:$0x3FAC] =	sst s0  }
0x9: {  	[smem:$0x3FAD] =	sst s1  }
0xa: {  	[smem:$0x3FAE] =	sst s2  }
0xb: {  	[smem:$0x3FAF] =	sst s3  }
0xc: {  	[smem:$0x3FB0] =	sst s4  }
0xd: {  	[smem:$0x3FB1] =	sst s5  }
0xe: {  	[smem:$0x3FB2] =	sst s6  }
0xf: {  	[smem:$0x3FB3] =	sst s7  }
0x10: {  	[smem:$0x3FB4] =	sst s8  }
0x11: {  	[smem:$0x3FB5] =	sst s9;
	s0 =	simm.s32 @!p0 $0x0  }
0x12: {  	s1 =	sld [smem:$0x3F9B];
	s0 =	simm.s32 @p0 $0x1  }
0x13: {  	[smem:$0x3FB6] =	sst s0;
	s0 =	simm.s32 @!p1 $0x0  }
0x14: {  	s2 =	sld [smem:$0x3F9A];
	s0 =	simm.s32 @p1 $0x1  }
0x15: {  	[smem:$0x3FB7] =	sst s0;
	s0 =	simm.s32 @!p2 $0x0  }
0x16: {  	s3 =	sld [smem:$0x3FDB];
	s0 =	simm.s32 @p2 $0x1  }
0x17: {  	s4 =	simm.s32 $0x1BF5;
	[smem:$0x3FB9] =	sst s0  }
0x18: {  	s0 =	sld [smem:$0x3F9C];
	_ =	swait.ge [sflag:s4], $0x0  }
0x19: {  	s7 =	sld [smem:$0x3F9D]  }
0x1a: {  	s8 =	sadd.s32 $0xFFFFE003, lr  }
0x1b: {  	s9 =	sadd.s32 $0xFFFFFEF7, lr;
	s5 =	simm.s32 $0xFFFFFFFF;
	p2 =	slt.u32 s8, $0xFFFFF086  }
0x1c: {  	p1 =	slt.u32 s9, $0xF7A;
	s5 =	simm.s32 @!p2 $0x0  }
0x1d: {  	s5 =	simm.s32 @p1 $0x1;
	p0 =	seq.s32 s7, s2  }
0x1e: {  	s7 =	smul.u32 @!p0 $0xF7A, s2;
	p2 =	seq.s32 @!p0 s5, $0x0  }
0x1f: {  	s9 =	smul.u32 $0xF7A, s1;
	s8 =	simm.s32 @!p0 $0x1BF5;
	p2 =	por !p2, p0  }
0x20: {  	[sflag:s8] =	ssyncset.s32 @!p0 $0xFFFFF086;
	s6 =	sadd.s32 @!p0 s3, s7;
	s7 =	simm.s32 @!p0 $0x108  }
0x21: {  	s3 =	sadd.s32 s3, s9;
	s6 =	sadd.s32 @!p0 $0x88, s6;
	s7 =	simm.s32 @p2 $0x1082  }
0x22: {  	[simem:s7], [sflag:s8] =	dma.local @!p0 [hbm:s6], $0xF7A  }
0x23: {  	s9 =	sor.u32 $0xD0000000, s2;
	s6 =	simm.s32 $0x108;
	_ =	swait.ge @!p0 [sflag:s8], $0x0  }
0x24: {  	s3 =	sadd.s32 $0x88, s3;
	s6 =	simm.s32 @!p1 $0x1082;
	[sflag:s4] =	ssyncset.s32 $0xFFFFF086  }
0x25: {  	[simem:s6], [sflag:s4] =	dma.local [hbm:s3], $0xF7A  }
0x26: {  	[smem:$0x3F9D] =	sst s1;
	(tag) =	ssettag s2;
	_ =	strace s9  }
0x27: {  	s1 =	sld [smem:$0x3FAD]  }
0x28: {  	s2 =	sld [smem:$0x3FAE]  }
0x29: {  	s4 =	sld [smem:$0x3FB0]  }
0x2a: {  	p0 =	seq.s32 s5, $0x0;
	s5 =	sld [smem:$0x3FB1]  }
0x2b: {  	s6 =	sld [smem:$0x3FB2]  }
0x2c: {  	s7 =	sld [smem:$0x3FB3]  }
0x2d: {  	s3 =	simm.s32 $0x108;
	s8 =	sld [smem:$0x3FB4]  }
0x2e: {  	s3 =	simm.s32 @!p0 $0x1082;
	s9 =	sld [smem:$0x3FB5]  }
0x2f: {  	lr =	sadd.s32 s0, s3;
	s0 =	sld [smem:$0x3FAC]  }
0x30: {  	s3 =	sld [smem:$0x3FAF]  }
0x31: {  	[smem:$0x3FB8] =	sst s10  }
0x32: {  	s10 =	sld [smem:$0x3FB6];
	_ =	sdelay $0x3  }
0x33: {  	p0 =	seq.s32 s10, $0x1;
	s10 =	sld [smem:$0x3FB8];
	_ =	sdelay $0x3  }
0x34: {  	[smem:$0x3FB8] =	sst s10  }
0x35: {  	s10 =	sld [smem:$0x3FB7];
	_ =	sdelay $0x3  }
0x36: {  	p1 =	seq.s32 s10, $0x1;
	s10 =	sld [smem:$0x3FB8];
	_ =	sdelay $0x3  }
0x37: {  	[smem:$0x3FB8] =	sst s10  }
0x38: {  	s10 =	sld [smem:$0x3FB9]  }
0x39: {  	_ = 	snop;
	(pc) =	sbr.ind lr, $3  }
0x3a: {  	_ = 	snop  }
0x3b: {  	_ = 	snop  }
0x3c: {  	p2 =	seq.s32 s10, $0x1;
	s10 =	sld [smem:$0x3FB8]  }
0x3d: {  	_ =	shalt  }
0x3e: {  	_ =	shalt  }
0x3f: {  	_ =	shalt  }
0x40: {  	_ =	shalt  }
0x41: {  	_ =	shalt  }
0x42: {  	_ =	shalt  }
0x43: {  	_ =	shalt  }
0x44: {  	_ =	shalt  }
0x45: {  	_ =	shalt  }
0x46: {  	_ =	shalt  }
0x47: {  	_ =	shalt  }
0x48: {  	_ =	shalt  }
0x49: {  	_ =	shalt  }
0x4a: {  	_ =	shalt  }
0x4b: {  	_ =	shalt  }
0x4c: {  	_ =	shalt  }
0x4d: {  	_ =	shalt  }
0x4e: {  	_ =	shalt  }
0x4f: {  	_ =	shalt  }
0x50: {  	_ =	shalt  }
0x51: {  	_ =	shalt  }
0x52: {  	_ =	shalt  }
0x53: {  	_ =	shalt  }
0x54: {  	_ =	shalt  }
0x55: {  	_ =	shalt  }
0x56: {  	_ =	shalt  }
0x57: {  	_ =	shalt  }
0x58: {  	_ =	shalt  }
0x59: {  	_ =	shalt  }
0x5a: {  	_ =	shalt  }
0x5b: {  	_ =	shalt  }
0x5c: {  	_ =	shalt  }
0x5d: {  	_ =	shalt  }
0x5e: {  	_ =	shalt  }
0x5f: {  	_ =	shalt  }
0x60: {  	_ =	shalt  }
0x61: {  	_ =	shalt  }
0x62: {  	_ =	shalt  }
0x63: {  	_ =	shalt  }
0x64: {  	_ =	shalt  }
0x65: {  	_ =	shalt  }
0x66: {  	_ =	shalt  }
0x67: {  	_ =	shalt  }
0x68: {  	_ =	shalt  }
0x69: {  	_ =	shalt  }
0x6a: {  	_ =	shalt  }
0x6b: {  	_ =	shalt  }
0x6c: {  	_ =	shalt  }
0x6d: {  	_ =	shalt  }
0x6e: {  	_ =	shalt  }
0x6f: {  	_ =	shalt  }
0x70: {  	_ =	shalt  }
0x71: {  	_ =	shalt  }
0x72: {  	_ =	shalt  }
0x73: {  	_ =	shalt  }
0x74: {  	_ =	shalt  }
0x75: {  	_ =	shalt  }
0x76: {  	_ =	shalt  }
0x77: {  	_ =	shalt  }
0x78: {  	_ =	shalt  }
0x79: {  	_ =	shalt  }
0x7a: {  	_ =	shalt  }
0x7b: {  	_ =	shalt  }
0x7c: {  	_ =	shalt  }
0x7d: {  	_ =	shalt  }
0x7e: {  	_ =	shalt  }
0x7f: {  	_ =	shalt  }
0x80: {  	_ =	shalt  }
0x81: {  	_ =	shalt  }
0x82: {  	_ =	shalt  }
0x83: {  	_ =	shalt  }
0x84: {  	_ =	shalt  }
0x85: {  	_ =	shalt  }
0x86: {  	_ =	shalt  }
0x87: {  	_ =	shalt  }
.Lfunc_end0:
.L_simem_size_0:
called_computation.1_lowered:
.L_overlay_start_0:
0x88: {  	s2 =	sld [smem:$0x3FD9]  }
0x89: {  	s3 =	sld [smem:$0x3FFE];
	_ =	sdelay $0x1  }
0x8a: {  	s1 =	srdreg.scid  }
0x8b: {  	s0 =	sand.u32 $0x1, s1  }
0x8c: {  	s17 =	sshll.u32 s0, $0xA;
	s2 =	sadd.s32 s3, s2  }
0x8d: {  	s2 =	sadd.s32 s2, s17  }
0x8e: {  	[smem:$0x3FC4] =	sst s2  }
0x8f: {  	_ = 	snop  }
0x90: {  	s2 =	sld [smem:$0x3FD0];
	(tm) =	ssettm $0x1  }
0x91: {  	s18 =	sld [smem:$0x3FFB];
	_ =	sdelay $0x3  }
0x92: {  	_ =	strace s18  }
0x93: {  	s3 =	sld [smem:$0x3FFC];
	_ =	sdelay $0x3  }
0x94: {  	_ =	strace s3  }
0x95: {  	s3 =	sld [smem:$0x3FFD];
	_ =	sdelay $0x3  }
0x96: {  	_ =	strace s3  }
0x97: {  	_ =	strace $0x8FFFFFFF  }
0x98: {  	s19 =	sld [smem:$0x3FDB];
	_ =	sdelay $0x1  }
0x99: {  	s4 =	simm.s32 $_scs_section_size  }
0x9a: {  	s5 =	simm.s32 $_size__tile_overlayer_lowered;
	s6 =	simm.s32 $_tile_overlayer_lowered  }
0x9b: {  	s22 =	simm.s32 $0x1BFF;
	s21 =	sshll.u32 s6, $0x1;
	s3 =	sadd.s32 s4, s19  }
0x9c: {  	s7 =	simm.s32 $0x0;
	s20 =	sshll.u32 s5, $0x1;
	s5 =	sadd.s32 s21, s3  }
0x9d: {  	[timem:s7], [sflag:s22] =	dma.local [hbm:s5], s20  }
0x9e: {  	_ =	swait.ge [sflag:s22], s20  }
0x9f: {  	s4 =	ssub.s32 $0x0, s20;
	[sflag:s22] =	ssyncset.done $0x0  }
0xa0: {  	[sflag:s22] =	ssyncadd.s32 s4;
	_ =	sdelay $0x1  }
0xa1: {  	s23 =	simm.s32 $0x1B8B  }
0xa2: {  	_ =	swait.ge [sflag:s23], $0x1  }
0xa3: {  	[sflag:s23] =	ssyncset.done $0x0  }
0xa4: {  	s25 =	simm.s32 $0x1B8E;
	s24 =	sld [smem:$0x3FFE];
	[sflag:s23] =	ssyncadd.s32 $0xFFFFFFFF  }
0xa5: {  	s26 =	simm.s32 $execute0_lowered;
	[smem:$0x3FD2] =	sst s25  }
0xa6: {  	s5 =	sshll.u32 s26, $0x1;
	_ =	strace $0x8000004F;
	[dreg:$0x1] =	wrdreg $0xFFFFFFFF  }
0xa7: {  	s28 =	simm.s32 $_size_execute0_lowered;
	s3 =	sadd.s32 s3, s5;
	[dreg:$0x0] =	wrdreg $0x0  }
0xa8: {  	s5 =	sshll.u32 s28, $0x1;
	[dreg:$0x2] =	wrdreg s3  }
0xa9: {  	[dreg:$0x3] =	wrdreg s5  }
0xaa: {  	[dreg:$0x4] =	wrdreg $0xC0  }
0xab: {  	_ =	task [dreg:s7], $0x5FFFF  }
0xac: {  	[dreg:$0x1] =	wrdreg $0xFFFFFFFF  }
0xad: {  	[dreg:$0x0] =	wrdreg $0x60  }
0xae: {  	[dreg:$0x2] =	wrdreg s24  }
0xaf: {  	[dreg:$0x3] =	wrdreg s2  }
0xb0: {  	[dreg:$0x4] =	wrdreg $0x9  }
0xb1: {  	_ =	task.clear_ibuf [dreg:s7], $0x5FFFF;
	_ =	strace $0x9000004F  }
0xb2: {  	s29 =	simm.s32 $0x9;
	_ =	strace $0x80000058  }
0xb3: {  	_ =	swait.ge [sflag:s29], $0x1  }
0xb4: {  	[sflag:s29] =	ssyncadd.s32 $0xFFFFFFFF  }
0xb5: {  	_ =	strace $0x90000058  }
0xb6: {  	_ =	sfence  }
0xb7: {  	s30 =	sld [smem:$0x0];
	_ =	sdelay $0x2  }
0xb8: {  	s31 =	sshll.u32 s1, $0xD;
	s1 =	sshrl.u32 s1, $0x2  }
0xb9: {  	s3 =	sand.u32 $0x4000, s31;
	s1 =	sadd.s32 s1, s30  }
0xba: {  	s0 =	sor.u32 s3, s0;
	s1 =	sshll.u32 s1, $0x11  }
0xbb: {  	s0 =	sor.u32 s1, s0  }
0xbc: {  	s0 =	sadd.s32 $0x8F2B, s0  }
0xbd: {  	[sflag:s0] =	ssyncadd.remote.s32 $0x1  }
0xbe: {  	_ =	sfence.sel $0xFFFF  }
0xbf: {  	[dreg:$0x0] =	wrdreg $0xFFFFFFFF;
	(pc) =	sbr.abs _section_cstart, $3  }
0xc0: {  	[dreg:$0x1] =	wrdreg $0xFFFFFFFF  }
0xc1: {  	_ =	task.clear_ibuf [dreg:s7], $0x2FFFF;
	_ =	strace $0x9FFFFFFF  }
0xc2: {  	(tm) =	ssettm $0x7FFFFFFF  }
0xc3: {  	_ =	shalt  }
tec
execute0_lowered:
.L_overlay_start_1:
0x0: {  	(tag) =	ssettag $0x1  }
0x1: {  	s0 =	rddreg [dreg:$0x0];
	s2 =	srdreg.scid  }
0x2: {  	s3 =	rddreg [dreg:$0x1];
	s5 =	sand.u32 $0x1, s2;
	s2 =	simm.s32 $0x0  }
0x3: {  	s11 =	simm.s32 $0x80;
	[smem:$0x7FF] =	sst s2  }
0x4: {  	s12 =	simm.s32 $0x900;
	_ =	strace $0x80000050;
	[dreg:$0x6] =	wrdreg s11  }
0x5: {  	s1 =	stileid.u32;
	s13 =	simm.s32 $0x1100;
	[dreg:$0x7] =	wrdreg s12  }
0x6: {  	s14 =	simm.s32 $0x1900;
	s15 =	simm.s32 $0x2100;
	[dreg:$0x8] =	wrdreg s13  }
0x7: {  	s16 =	simm.s32 $0x2900;
	s17 =	simm.s32 $0x3100;
	[dreg:$0x9] =	wrdreg s14  }
0x8: {  	s18 =	simm.s32 $0x3900;
	s19 =	simm.s32 $0x4100;
	[dreg:$0xa] =	wrdreg s15  }
0x9: {  	s21 =	simm.s32 $0x4900;
	s23 =	simm.s32 $0x5100;
	[dreg:$0xb] =	wrdreg s16  }
0xa: {  	s24 =	simm.s32 $0x5900;
	s25 =	simm.s32 $0x6900;
	[dreg:$0xc] =	wrdreg s17  }
0xb: {  	s26 =	simm.s32 $0x7100;
	s28 =	simm.s32 $0xE900;
	[dreg:$0xd] =	wrdreg s18  }
0xc: {  	s29 =	simm.s32 $0xF100;
	s30 =	simm.s32 $0xF900;
	[dreg:$0xe] =	wrdreg s19  }
0xd: {  	s31 =	simm.s32 $0x3;
	s6 =	sshll.u32 s1, $0x1;
	[dreg:$0xf] =	wrdreg s21  }
0xe: {  	s9 =	sshll.u32 s1, $0x5;
	s4 =	sshll.u32 s5, $0x5;
	[dreg:$0x10] =	wrdreg s23  }
0xf: {  	s5 =	ssub.s32 $0x2, s5;
	s4 =	sor.u32 s6, s4;
	[dreg:$0x11] =	wrdreg s24  }
0x10: {  	s6 =	sand.u32 $0x60, s9;
	s20 =	sshrl.u32 s5, $0x1;
	[dreg:$0x13] =	wrdreg s25  }
0x11: {  	s9 =	simm.s32 $0x6100;
	[dreg:$0x14] =	wrdreg s26;
	s12 =	simm.s32 $0x5  }
0x12: {  	s13 =	simm.s32 $0x2;
	s14 =	simm.s32 $0x8100;
	s15 =	simm.s32 $0x8900  }
0x13: {  	s16 =	simm.s32 $0x9100;
	s17 =	simm.s32 $0x9900;
	s18 =	simm.s32 $0xA100  }
0x14: {  	s19 =	simm.s32 $0xA900;
	s21 =	simm.s32 $0xB900;
	s23 =	simm.s32 $0xC900  }
0x15: {  	s24 =	simm.s32 $0xD100;
	s25 =	simm.s32 $0xD900;
	s26 =	simm.s32 $0xE100  }
0x16: {  	s7 =	sshll.u32 s4, $0x4;
	s6 =	sadd.s32 s0, s6;
	s4 =	sshll.u32 s4, $0xC  }
0x17: {  	s22 =	ssub.s32 s5, s20;
	s5 =	sadd.s32 $0x140500, s0;
	[dreg:$0x12] =	wrdreg s9  }
0x18: {  	s9 =	simm.s32 $0x1;
	s20 =	simm.s32 $0xB100;
	s8 =	sand.u32 $0x380, s7  }
0x19: {  	s7 =	sadd.s32 s7, s0;
	s3 =	sadd.s32 s3, s4;
	s6 =	sadd.s32 s8, s6  }
0x1a: {  	s10 =	sadd.s32 $0x10, s7;
	s4 =	sadd.s32 $0x1000, s3;
	[dreg:$0x3] =	wrdreg s6  }
0x1b: {  	v2 =	vlaneseq.u32;
	s7 =	sadd.s32 $0x140700, s0;
	s8 =	smax.u32 s22, $0x1;
	[dreg:$0x4] =	wrdreg s10  }
0x1c: {  	vm0 =	vmmov $0xffff;
	v1 =	vshrl.u32 v2, $0x3;
	s22 =	simm.s32 $0xC100;
	[dreg:$0x5] =	wrdreg s4;
	s4 =	sadd.s32 $0x140400, s0  }
0x1d: {  	v0 =	vand.u32 $0x7, v2;
	v2 =	vor.u32 $0x8, v2;
	v1 =	vmul.u32 $0x8, v1;
	s6 =	sadd.s32 $0x140600, s0;
	s10 =	simm.s32 $0x100;
	s0 =	simm.s32 $0x4  }
.LBB2_1:
0x1e: {  	_ =	strace $0x80000051  }
0x1f: {  	s1 =	rddreg [dreg:$0x3]  }
0x20: {  	[tilespmem:s2], [sflag:$0x1] =	stream.linear.gather [hbm4b:s1+s2], $0x80, $0x200038;
	[tilespmem:$0x10100] =	vst v63  }
0x21: {  	_ =	strace $0x90000051  }
0x22: {  	_ =	strace $0x80000052  }
0x23: {  	s1 =	rddreg [dreg:$0x4]  }
0x24: {  	s11 =	rddreg [dreg:$0x6]  }
0x25: {  	[tilespmem:s11], [sflag:$0x2] =	stream.linear.gather [hbm4b:s1+s2], $0x80, $0x200038;
	[tilespmem:$0x10100] =	vst v63  }
0x26: {  	_ =	strace $0x90000052  }
0x27: {  	_ =	strace $0x80000053  }
0x28: {  	_ =	swait.ge [sflag:s9], $0x80  }
0x29: {  	[sflag:s9] =	ssyncset.done $0x0  }
0x2a: {  	[sflag:s9] =	ssyncadd.s32 $0xFFFFFF80  }
0x2b: {  	_ =	strace $0x90000053  }
0x2c: {  	_ =	strace $0x80000054  }
0x2d: {  	v3 =	vld [tilespmem:$0x0];
	_ =	sdelay $0x4  }
0x2e: {  	v4 =	vshll.u32 v3, $0x3  }
0x2f: {  	v3 =	vand.u32 $0x7, v3;
	v4 =	vand.u32 $0xFFFFFFC0, v4  }
0x30: {  	v3 =	vor.u32 v3, v4  }
0x31: {  	v4 =	vperm.xlane v3, v0;
	_ =	sdelay $0x1  }
0x32: {  	v4 =	vadd.s32 v1, v4;
	_ =	sdelay $0x4  }
0x33: {  	[tilespmem:s10], [sflag:$0x5] =	stream.indirect_vreg.gather [hbm4b:s4+s2], $0x80, v4, vm0, $0x2000b8;
	[tilespmem:$0x10100] =	vst v63  }
0x34: {  	s1 =	rddreg [dreg:$0x7];
	v3 =	vperm.xlane v3, v2  }
0x35: {  	[tilespmem:s1], [sflag:$0x5] =	stream.indirect_vreg.gather [hbm4b:s5+s2], $0x80, v4, vm0, $0x2000b8;
	[tilespmem:$0x10100] =	vst v63  }
0x36: {  	s11 =	rddreg [dreg:$0x8];
	v3 =	vadd.s32 v1, v3  }
0x37: {  	[tilespmem:s11], [sflag:$0x5] =	stream.indirect_vreg.gather [hbm4b:s6+s2], $0x80, v4, vm0, $0x2000b8;
	[tilespmem:$0x10100] =	vst v63  }
0x38: {  	s1 =	rddreg [dreg:$0x9]  }
0x39: {  	[tilespmem:s1], [sflag:$0x5] =	stream.indirect_vreg.gather [hbm4b:s7+s2], $0x80, v4, vm0, $0x2000b8;
	[tilespmem:$0x10100] =	vst v63  }
0x3a: {  	s11 =	rddreg [dreg:$0xa]  }
0x3b: {  	[tilespmem:s11], [sflag:$0x5] =	stream.indirect_vreg.gather [hbm4b:s4+s2], $0x80, v3, vm0, $0x2000b8;
	[tilespmem:$0x10100] =	vst v63  }
0x3c: {  	s1 =	rddreg [dreg:$0xb]  }
0x3d: {  	[tilespmem:s1], [sflag:$0x5] =	stream.indirect_vreg.gather [hbm4b:s5+s2], $0x80, v3, vm0, $0x2000b8;
	[tilespmem:$0x10100] =	vst v63  }
0x3e: {  	s11 =	rddreg [dreg:$0xc]  }
0x3f: {  	[tilespmem:s11], [sflag:$0x5] =	stream.indirect_vreg.gather [hbm4b:s6+s2], $0x80, v3, vm0, $0x2000b8;
	[tilespmem:$0x10100] =	vst v63  }
0x40: {  	s1 =	rddreg [dreg:$0xd]  }
0x41: {  	[tilespmem:s1], [sflag:$0x5] =	stream.indirect_vreg.gather [hbm4b:s7+s2], $0x80, v3, vm0, $0x2000b8;
	[tilespmem:$0x10100] =	vst v63  }
0x42: {  	v3 =	vld [tilespmem:$0x10];
	_ =	sdelay $0x4  }
0x43: {  	v61 =	vshll.u32 v3, $0x3  }
0x44: {  	v3 =	vand.u32 $0x7, v3;
	v4 =	vand.u32 $0xFFFFFFC0, v61  }
0x45: {  	v3 =	vor.u32 v3, v4  }
0x46: {  	v4 =	vperm.xlane v3, v0;
	_ =	sdelay $0x1  }
0x47: {  	v4 =	vadd.s32 v1, v4;
	_ =	sdelay $0x3  }
0x48: {  	s1 =	rddreg [dreg:$0xe]  }
0x49: {  	[tilespmem:s1], [sflag:$0x5] =	stream.indirect_vreg.gather [hbm4b:s4+s2], $0x80, v4, vm0, $0x2000b8;
	[tilespmem:$0x10100] =	vst v63  }
0x4a: {  	s11 =	rddreg [dreg:$0xf];
	v3 =	vperm.xlane v3, v2  }
0x4b: {  	[tilespmem:s11], [sflag:$0x5] =	stream.indirect_vreg.gather [hbm4b:s5+s2], $0x80, v4, vm0, $0x2000b8;
	[tilespmem:$0x10100] =	vst v63  }
0x4c: {  	v3 =	vadd.s32 v1, v3;
	s1 =	rddreg [dreg:$0x10]  }
0x4d: {  	[tilespmem:s1], [sflag:$0x5] =	stream.indirect_vreg.gather [hbm4b:s6+s2], $0x80, v4, vm0, $0x2000b8;
	[tilespmem:$0x10100] =	vst v63  }
0x4e: {  	s11 =	rddreg [dreg:$0x11]  }
0x4f: {  	[tilespmem:s11], [sflag:$0x5] =	stream.indirect_vreg.gather [hbm4b:s7+s2], $0x80, v4, vm0, $0x2000b8;
	[tilespmem:$0x10100] =	vst v63  }
0x50: {  	s1 =	rddreg [dreg:$0x12]  }
0x51: {  	[tilespmem:s1], [sflag:$0x5] =	stream.indirect_vreg.gather [hbm4b:s4+s2], $0x80, v3, vm0, $0x2000b8;
	[tilespmem:$0x10100] =	vst v63  }
0x52: {  	s11 =	rddreg [dreg:$0x13]  }
0x53: {  	[tilespmem:s11], [sflag:$0x5] =	stream.indirect_vreg.gather [hbm4b:s5+s2], $0x80, v3, vm0, $0x2000b8;
	[tilespmem:$0x10100] =	vst v63  }
0x54: {  	s1 =	rddreg [dreg:$0x14]  }
0x55: {  	[tilespmem:s1], [sflag:$0x5] =	stream.indirect_vreg.gather [hbm4b:s6+s2], $0x80, v3, vm0, $0x2000b8;
	[tilespmem:$0x10100] =	vst v63  }
0x56: {  	s11 =	simm.s32 $0x7900  }
0x57: {  	[tilespmem:s11], [sflag:$0x5] =	stream.indirect_vreg.gather [hbm4b:s7+s2], $0x80, v3, vm0, $0x2000b8;
	[tilespmem:$0x10100] =	vst v63  }
0x58: {  	_ =	swait.ge [sflag:s12], $0x8000  }
0x59: {  	[sflag:s12] =	ssyncset.done $0x0  }
0x5a: {  	[sflag:s12] =	ssyncadd.s32 $0xFFFF8000  }
0x5b: {  	_ =	strace $0x90000054  }
0x5c: {  	_ =	strace $0x80000055  }
0x5d: {  	[hbm4b:s3+s2] =	stream.linear.scatter [tilespmem:s10], [sflag:$0x3], $0x8000, $0x200038;
	[tilespmem:$0x10100] =	vst v63  }
0x5e: {  	_ =	strace $0x90000055  }
0x5f: {  	_ =	strace $0x80000053  }
0x60: {  	_ =	swait.ge [sflag:s13], $0x80  }
0x61: {  	[sflag:s13] =	ssyncset.done $0x0  }
0x62: {  	[sflag:s13] =	ssyncadd.s32 $0xFFFFFF80  }
0x63: {  	_ =	strace $0x90000053  }
0x64: {  	_ =	strace $0x80000054  }
0x65: {  	v3 =	vld [tilespmem:$0x80];
	_ =	sdelay $0x4  }
0x66: {  	v62 =	vshll.u32 v3, $0x3  }
0x67: {  	v3 =	vand.u32 $0x7, v3;
	v4 =	vand.u32 $0xFFFFFFC0, v62  }
0x68: {  	v3 =	vor.u32 v3, v4  }
0x69: {  	v4 =	vperm.xlane v3, v0;
	_ =	sdelay $0x1  }
0x6a: {  	v4 =	vadd.s32 v1, v4;
	_ =	sdelay $0x4  }
0x6b: {  	[tilespmem:s14], [sflag:$0x5] =	stream.indirect_vreg.gather [hbm4b:s4+s2], $0x80, v4, vm0, $0x2000b8;
	[tilespmem:$0x10100] =	vst v63  }
0x6c: {  	v3 =	vperm.xlane v3, v2  }
0x6d: {  	[tilespmem:s15], [sflag:$0x5] =	stream.indirect_vreg.gather [hbm4b:s5+s2], $0x80, v4, vm0, $0x2000b8;
	[tilespmem:$0x10100] =	vst v63  }
0x6e: {  	v3 =	vadd.s32 v1, v3  }
0x6f: {  	[tilespmem:s16], [sflag:$0x5] =	stream.indirect_vreg.gather [hbm4b:s6+s2], $0x80, v4, vm0, $0x2000b8;
	[tilespmem:$0x10100] =	vst v63  }
0x70: {  	_ = 	snop  }
0x71: {  	[tilespmem:s17], [sflag:$0x5] =	stream.indirect_vreg.gather [hbm4b:s7+s2], $0x80, v4, vm0, $0x2000b8;
	[tilespmem:$0x10100] =	vst v63  }
0x72: {  	_ = 	snop  }
0x73: {  	[tilespmem:s18], [sflag:$0x5] =	stream.indirect_vreg.gather [hbm4b:s4+s2], $0x80, v3, vm0, $0x2000b8;
	[tilespmem:$0x10100] =	vst v63  }
0x74: {  	_ = 	snop  }
0x75: {  	[tilespmem:s19], [sflag:$0x5] =	stream.indirect_vreg.gather [hbm4b:s5+s2], $0x80, v3, vm0, $0x2000b8;
	[tilespmem:$0x10100] =	vst v63  }
0x76: {  	_ = 	snop  }
0x77: {  	[tilespmem:s20], [sflag:$0x5] =	stream.indirect_vreg.gather [hbm4b:s6+s2], $0x80, v3, vm0, $0x2000b8;
	[tilespmem:$0x10100] =	vst v63  }
0x78: {  	_ = 	snop  }
0x79: {  	[tilespmem:s21], [sflag:$0x5] =	stream.indirect_vreg.gather [hbm4b:s7+s2], $0x80, v3, vm0, $0x2000b8;
	[tilespmem:$0x10100] =	vst v63  }
0x7a: {  	v3 =	vld [tilespmem:$0x90];
	_ =	sdelay $0x4  }
0x7b: {  	v63 =	vshll.u32 v3, $0x3  }
0x7c: {  	v3 =	vand.u32 $0x7, v3;
	v4 =	vand.u32 $0xFFFFFFC0, v63  }
0x7d: {  	v3 =	vor.u32 v3, v4  }
0x7e: {  	v4 =	vperm.xlane v3, v0;
	_ =	sdelay $0x1  }
0x7f: {  	v4 =	vadd.s32 v1, v4;
	_ =	sdelay $0x4  }
0x80: {  	[tilespmem:s22], [sflag:$0x5] =	stream.indirect_vreg.gather [hbm4b:s4+s2], $0x80, v4, vm0, $0x2000b8;
	[tilespmem:$0x10100] =	vst v63  }
0x81: {  	v3 =	vperm.xlane v3, v2  }
0x82: {  	[tilespmem:s23], [sflag:$0x5] =	stream.indirect_vreg.gather [hbm4b:s5+s2], $0x80, v4, vm0, $0x2000b8;
	[tilespmem:$0x10100] =	vst v63  }
0x83: {  	v3 =	vadd.s32 v1, v3  }
0x84: {  	[tilespmem:s24], [sflag:$0x5] =	stream.indirect_vreg.gather [hbm4b:s6+s2], $0x80, v4, vm0, $0x2000b8;
	[tilespmem:$0x10100] =	vst v63  }
0x85: {  	_ = 	snop  }
0x86: {  	[tilespmem:s25], [sflag:$0x5] =	stream.indirect_vreg.gather [hbm4b:s7+s2], $0x80, v4, vm0, $0x2000b8;
	[tilespmem:$0x10100] =	vst v63  }
0x87: {  	_ = 	snop  }
0x88: {  	[tilespmem:s26], [sflag:$0x5] =	stream.indirect_vreg.gather [hbm4b:s4+s2], $0x80, v3, vm0, $0x2000b8;
	[tilespmem:$0x10100] =	vst v63  }
0x89: {  	_ = 	snop  }
0x8a: {  	[tilespmem:s28], [sflag:$0x5] =	stream.indirect_vreg.gather [hbm4b:s5+s2], $0x80, v3, vm0, $0x2000b8;
	[tilespmem:$0x10100] =	vst v63  }
0x8b: {  	_ = 	snop  }
0x8c: {  	[tilespmem:s29], [sflag:$0x5] =	stream.indirect_vreg.gather [hbm4b:s6+s2], $0x80, v3, vm0, $0x2000b8;
	[tilespmem:$0x10100] =	vst v63  }
0x8d: {  	_ = 	snop  }
0x8e: {  	[tilespmem:s30], [sflag:$0x5] =	stream.indirect_vreg.gather [hbm4b:s7+s2], $0x80, v3, vm0, $0x2000b8;
	[tilespmem:$0x10100] =	vst v63  }
0x8f: {  	_ =	swait.ge [sflag:s12], $0x8000  }
0x90: {  	[sflag:s12] =	ssyncset.done $0x0  }
0x91: {  	[sflag:s12] =	ssyncadd.s32 $0xFFFF8000  }
0x92: {  	_ =	strace $0x90000054  }
0x93: {  	_ =	strace $0x80000055  }
0x94: {  	s11 =	rddreg [dreg:$0x5]  }
0x95: {  	[hbm4b:s11+s2] =	stream.linear.scatter [tilespmem:s14], [sflag:$0x4], $0x8000, $0x200038;
	[tilespmem:$0x10100] =	vst v63  }
0x96: {  	_ =	strace $0x90000055  }
0x97: {  	_ =	strace $0x80000056  }
0x98: {  	_ =	swait.ge [sflag:s31], $0x8000  }
0x99: {  	[sflag:s31] =	ssyncset.done $0x0  }
0x9a: {  	[sflag:s31] =	ssyncadd.s32 $0xFFFF8000  }
0x9b: {  	p0 =	sne.s32 s8, $0x1;
	_ =	strace $0x90000056  }
.Ltmp0:
0x9c: {  	_ =	strace $0x80000057;
	(pc) =	sbr.rel @p0 .LBB2_1-.Ltmp0, $4  }
0x9d: {  	_ =	swait.ge [sflag:s0], $0x8000  }
0x9e: {  	[sflag:s0] =	ssyncset.done $0x0  }
0x9f: {  	[sflag:s0] =	ssyncadd.s32 $0xFFFF8000  }
0xa0: {  	s8 =	sadd.s32 $0xFFFFFFFF, s8;
	_ =	strace $0x90000057  }
0xa1: {  	_ =	sfence.sel $0x180000  }
0xa2: {  	[bflag:$0x0] =	sbarrier.arrive $0xFFFF  }
0xa3: {  	_ =	strace $0x90000050  }
0xa4: {  	s0 =	stileid.u32;
	[bflag:$0x2] =	sbarrier.arrive $0xFFFF  }
0xa5: {  	p0 =	sne.s32 s0, $0x0;
	s0 =	rddreg [dreg:$0x2]  }
0xa6: {  	s0 =	sadd.s32 @!p0 $0x100000, s0  }
0xa7: {  	[sflag:s0] =	ssyncadd.tile.s32 @!p0 $0x1;
	_ =	shalt  }
.Lfunc_end2:
_tile_overlayer_lowered:
.L_overlay_start_2:
0xa8: {  	(tag) =	ssettag $0x2  }
0xa9: {  	s0 =	rddreg [dreg:$0x0];
	s2 =	stileid.u32  }
0xaa: {  	s1 =	rddreg [dreg:$0x1];
	p0 =	sne.s32 s2, $0x0  }
0xab: {  	s3 =	rddreg [dreg:$0x2];
	[bflag:$0x3] =	sbarrier.arrive $0xFFFF;
	s2 =	simm.s32 @!p0 $0x1C01  }
0xac: {  	[timem:s3], [sflag:s2] =	dma.local @!p0 [hbm:s0], s1  }
0xad: {  	s0 =	simm.s32 @!p0 $0x1  }
0xae: {  	_ =	swait.ge @!p0 [sflag:s0], s1  }
0xaf: {  	s1 =	ssub.s32 @!p0 $0x0, s1;
	[sflag:s0] =	ssyncset.done @!p0 $0x0  }
0xb0: {  	[sflag:s0] =	ssyncadd.s32 @!p0 s1  }
0xb1: {  	[bflag:$0x3] =	sbarrier.arrive $0xFFFF  }
0xb2: {  	_ =	shalt  }

</sc_bundles>
